<compile_context>
chip_gen: v7x
topology: tpu7x:2x2x1
jax: 0.10.2.dev20260603
libtpu: 0.0.44.dev20260713+nightly
codegen_flags: <defaults>
</compile_context>

<pallas_src>
import functools

import jax
import jax.numpy as jnp
from jax import lax
from jax.experimental import pallas as pl
from jax.experimental.pallas import tpu as pltpu
from jax.experimental.pallas import tpu_sc as plsc

N = 10000
E = 320000
D = 128

_INFO = plsc.get_sparse_core_info()
NC = _INFO.num_cores
NS = _INFO.num_subcores
NW = NC * NS
EPW = E // NW
K = 80
NCHUNK = EPW // K
RPT = N // NS
ZROWS = 125
WPT = 640
WTAIL0 = (NS - 1) * WPT
NUP = NS * WPT

_MESH = plsc.VectorSubcoreMesh(core_axis_name="c", subcore_axis_name="s")


NBUF = 4
GL = NBUF - 2


def _make_sc_agg(with_deg):
    out_type = [jax.ShapeDtypeStruct((NC, N, D), jnp.float32)]
    scratch = [
        pltpu.VMEM_SHARED((N, D), jnp.float32),
    ]
    per_buf = 6
    for _ in range(NBUF):
        scratch += [
            pltpu.VMEM((K,), jnp.int32),
            pltpu.VMEM((K,), jnp.int32),
            pltpu.VMEM((K, D), jnp.float32),
            pltpu.SemaphoreType.DMA,
            pltpu.SemaphoreType.DMA,
            pltpu.SemaphoreType.DMA,
        ]
    if with_deg:
        out_type.append(jax.ShapeDtypeStruct((NC, NUP), jnp.float32))
        scratch += [
            pltpu.VMEM_SHARED((NUP,), jnp.float32),
            pltpu.VMEM((K,), jnp.float32),
        ]

    @functools.partial(pl.kernel, mesh=_MESH, out_type=out_type,
                       scratch_types=scratch)
    def k(h_hbm, src_hbm, dst_hbm, zf_hbm, zd_hbm, ones_hbm, *rest):
        if with_deg:
            agg_out, deg_out, acc = rest[:3]
            bufs = rest[3:3 + NBUF * per_buf]
            dacc, ones_v = rest[3 + NBUF * per_buf:]
        else:
            agg_out, acc = rest[:2]
            bufs = rest[2:2 + NBUF * per_buf]
        ring = [bufs[i * per_buf:(i + 1) * per_buf] for i in range(NBUF)]
        sidx = [r[0] for r in ring]
        didx = [r[1] for r in ring]
        rows = [r[2] for r in ring]
        isem = [r[3] for r in ring]
        gs = [r[4] for r in ring]
        scs = [r[5] for r in ring]

        c = lax.axis_index("c")
        s = lax.axis_index("s")
        wid = s * NC + c
        w0 = pl.multiple_of(s * WPT, 128)

        zsem = scs[0]
        if with_deg:
            pltpu.make_async_copy(ones_hbm, ones_v, zsem).start()
            pltpu.make_async_copy(zd_hbm, dacc.at[pl.ds(w0, WPT)],
                                  zsem).start()
        for z in range(RPT // ZROWS):
            pltpu.make_async_copy(
                zf_hbm, acc.at[pl.ds(s * RPT + z * ZROWS, ZROWS)],
                zsem).start()
        def drain_zero():
            if with_deg:
                pltpu.make_async_copy(ones_hbm, ones_v, zsem).wait()
                pltpu.make_async_copy(zd_hbm, dacc.at[pl.ds(w0, WPT)],
                                      zsem).wait()
            for z in range(RPT // ZROWS):
                pltpu.make_async_copy(
                    zf_hbm, acc.at[pl.ds(s * RPT + z * ZROWS, ZROWS)],
                    zsem).wait()

        def start_idx(ci, b):
            base = pl.multiple_of(wid * EPW + ci * K, 8)
            pltpu.make_async_copy(src_hbm.at[pl.ds(base, K)], sidx[b],
                                  isem[b]).start()
            pltpu.make_async_copy(dst_hbm.at[pl.ds(base, K)], didx[b],
                                  isem[b]).start()

        def wait_idx_start_gather(b):
            pltpu.make_async_copy(src_hbm.at[pl.ds(0, K)], sidx[b],
                                  isem[b]).wait()
            pltpu.make_async_copy(dst_hbm.at[pl.ds(0, K)], didx[b],
                                  isem[b]).wait()
            pltpu.make_async_copy(h_hbm.at[sidx[b]], rows[b], gs[b]).start()

        def start_scatter(b):
            pltpu.make_async_copy(rows[b], acc.at[didx[b]],
                                  scs[b]).start(add=True)
            if with_deg:
                pltpu.make_async_copy(ones_v, dacc.at[didx[b]],
                                      scs[b]).start(add=True)

        def wait_scatter(b):
            pltpu.make_async_copy(rows[b], acc.at[didx[b]], scs[b]).wait()
            if with_deg:
                pltpu.make_async_copy(ones_v, dacc.at[didx[b]],
                                      scs[b]).wait()

        for b in range(NBUF - 1):
            start_idx(b, b)
        for b in range(GL):
            wait_idx_start_gather(b)
        drain_zero()
        plsc.subcore_barrier()

        def body(i8, carry):
            for b in range(NBUF):
                ci = NBUF * i8 + b

                @pl.when(ci < NCHUNK)
                def _():
                    @pl.when(ci + GL < NCHUNK)
                    def _():
                        wait_idx_start_gather((b + GL) % NBUF)

                    pltpu.make_async_copy(h_hbm.at[sidx[b]], rows[b],
                                          gs[b]).wait()
                    start_scatter(b)

                    @pl.when(ci >= 1)
                    def _():
                        wait_scatter((b + NBUF - 1) % NBUF)

                    @pl.when(ci + NBUF - 1 < NCHUNK)
                    def _():
                        start_idx(ci + NBUF - 1, (b + NBUF - 1) % NBUF)

            return carry

        lax.fori_loop(0, (NCHUNK + NBUF - 1) // NBUF, body, 0)
        wait_scatter((NCHUNK - 1) % NBUF)
        plsc.subcore_barrier()

        if with_deg:
            pltpu.sync_copy(dacc.at[pl.ds(w0, WPT)],
                            deg_out.at[c, pl.ds(w0, WPT)])

        @pl.when(s < NS - 1)
        def _write_full():
            pltpu.sync_copy(acc.at[pl.ds(w0, WPT)],
                            agg_out.at[c, pl.ds(w0, WPT)])

        @pl.when(s == NS - 1)
        def _write_tail():
            pltpu.sync_copy(acc.at[pl.ds(WTAIL0, N - WTAIL0)],
                            agg_out.at[c, pl.ds(WTAIL0, N - WTAIL0)])

    return k


_sc_agg_deg = _make_sc_agg(True)
_sc_agg_only = _make_sc_agg(False)


_BN = 10000


def _tc_self_body(h_ref, w_ref, b_ref, o_ref):
    o_ref[...] = (jnp.dot(h_ref[...], w_ref[...],
                          preferred_element_type=jnp.float32) + b_ref[...])


def _tc_self(h, W, b):
    return pl.pallas_call(
        _tc_self_body,
        grid=(N // _BN,),
        in_specs=[
            pl.BlockSpec((_BN, D), lambda i: (i, 0)),
            pl.BlockSpec((D, D), lambda i: (0, 0)),
            pl.BlockSpec((1, D), lambda i: (0, 0)),
        ],
        out_specs=pl.BlockSpec((_BN, D), lambda i: (i, 0)),
        out_shape=jax.ShapeDtypeStruct((N, D), jnp.float32),
    )(h, W, b.reshape(1, D))


def _tc_combine_body(relu, p_ref, d_ref, s_ref, wl_ref, o_ref):
    agg = p_ref[0] + p_ref[1]
    mean = agg / jnp.maximum(d_ref[...], 1.0)
    out = jnp.dot(mean, wl_ref[...],
                  preferred_element_type=jnp.float32) + s_ref[...]
    if relu:
        out = jnp.maximum(out, 0.0)
    o_ref[...] = out


def _tc_combine(aggp, deg_col, selfp, Wl, relu):
    return pl.pallas_call(
        functools.partial(_tc_combine_body, relu),
        grid=(N // _BN,),
        in_specs=[
            pl.BlockSpec((NC, _BN, D), lambda i: (0, i, 0)),
            pl.BlockSpec((_BN, 1), lambda i: (i, 0)),
            pl.BlockSpec((_BN, D), lambda i: (i, 0)),
            pl.BlockSpec((D, D), lambda i: (0, 0)),
        ],
        out_specs=pl.BlockSpec((_BN, D), lambda i: (i, 0)),
        out_shape=jax.ShapeDtypeStruct((N, D), jnp.float32),
    )(aggp, deg_col, selfp, Wl)


def kernel(x, edge_index, Wl0, Wr0, b0, Wl1, Wr1, b1):
    src = edge_index[0]
    dst = edge_index[1]
    zf = jnp.zeros((ZROWS, D), jnp.float32)
    zd = jnp.zeros((WPT,), jnp.float32)
    ones = jnp.ones((K,), jnp.float32)

    aggp0, degp = _sc_agg_deg(x, src, dst, zf, zd, ones)
    self0 = _tc_self(x, Wr0, b0)
    deg_col = (degp[0, :N] + degp[1, :N]).reshape(N, 1)
    h1 = _tc_combine(aggp0, deg_col, self0, Wl0, relu=True)
    (aggp1,) = _sc_agg_only(h1, src, dst, zf, zd, ones)
    self1 = _tc_self(h1, Wr1, b1)
    out = _tc_combine(aggp1, deg_col, self1, Wl1, relu=False)
    return out

# --- scband reference (transcript-rebuilt; emitter-appended) ---
"""Pipeline reference for scband-gnnencoder-65360812310870 (READ-ONLY COPY).

The authoritative reference and input builder live on the scoring server;
editing this copy changes nothing except your own understanding.
"""

import jax, jax.numpy as jnp
import numpy as np

N = 10000
E = 320000
D = 128


def setup_inputs(seed: int = 0) -> dict:
    key = jax.random.key(seed)
    ks = jax.random.split(key, 8)
    x = jax.random.normal(ks[0], (N, D), dtype=jnp.float32)
    edge_index = jax.random.randint(ks[1], (2, E), 0, N, dtype=jnp.int32)
    s = 1.0 / np.sqrt(D)
    Wl0 = jax.random.normal(ks[2], (D, D), dtype=jnp.float32) * s
    Wr0 = jax.random.normal(ks[3], (D, D), dtype=jnp.float32) * s
    b0 = jnp.zeros((D,), dtype=jnp.float32)
    Wl1 = jax.random.normal(ks[4], (D, D), dtype=jnp.float32) * s
    Wr1 = jax.random.normal(ks[5], (D, D), dtype=jnp.float32) * s
    b1 = jnp.zeros((D,), dtype=jnp.float32)
    return {"x": x, "edge_index": edge_index, "Wl0": Wl0, "Wr0": Wr0, "b0": b0, "Wl1": Wl1, "Wr1": Wr1, "b1": b1}


def reference(x, edge_index, Wl0, Wr0, b0, Wl1, Wr1, b1):
    # GNNEncoder with conv='sage', num_layers=2 -> two SAGEConv layers.
    # SAGEConv (mean aggregation): out = mean_{j in N(i)} x_j @ Wl + x_i @ Wr + b
    src = edge_index[0]
    dst = edge_index[1]

    def sage_conv(h, Wl, Wr, b):
        msg = h[src]  # gather source node features per edge
        agg = jax.ops.segment_sum(msg, dst, num_segments=N)  # scatter-add to dst
        deg = jax.ops.segment_sum(jnp.ones((E,), dtype=h.dtype), dst, num_segments=N)
        mean = agg / jnp.maximum(deg, 1.0)[:, None]
        return mean @ Wl + h @ Wr + b

    h = sage_conv(x, Wl0, Wr0, b0)
    h = jax.nn.relu(h)
    # dropout is identity in eval mode
    out = sage_conv(h, Wl1, Wr1, b1)
    return out

if __name__ == "__main__":
    import jax
    _d = setup_inputs()
    print(jax.jit(kernel)(*tuple(_d.values())))

</pallas_src>

<mosaic_0001>
#map = affine_map<(d0, d1) -> (0, 0)>
#map1 = affine_map<(d0, d1) -> (0)>
#map2 = affine_map<(d0, d1) -> (0, 0, 0)>
module attributes {stable_mosaic.version = 14 : i64} {
  func.func @k(%arg0: i32, %arg1: i32, %arg2: memref<10000x128xf32, #tpu.memory_space<hbm>>, %arg3: memref<320000xi32, #tpu.memory_space<hbm>>, %arg4: memref<320000xi32, #tpu.memory_space<hbm>>, %arg5: memref<125x128xf32, #tpu.memory_space<hbm>>, %arg6: memref<640xf32, #tpu.memory_space<hbm>>, %arg7: memref<80xf32, #tpu.memory_space<hbm>>, %arg8: memref<2x10000x128xf32, #tpu.memory_space<hbm>>, %arg9: memref<10000x128xf32, #tpu.memory_space<vmem_shared>>, %arg10: memref<80xi32, #tpu.memory_space<vmem>>, %arg11: memref<80xi32, #tpu.memory_space<vmem>>, %arg12: memref<80x128xf32, #tpu.memory_space<vmem>>, %arg13: memref<!tpu.dma_semaphore, #tpu.memory_space<semaphore_mem>>, %arg14: memref<!tpu.dma_semaphore, #tpu.memory_space<semaphore_mem>>, %arg15: memref<!tpu.dma_semaphore, #tpu.memory_space<semaphore_mem>>, %arg16: memref<80xi32, #tpu.memory_space<vmem>>, %arg17: memref<80xi32, #tpu.memory_space<vmem>>, %arg18: memref<80x128xf32, #tpu.memory_space<vmem>>, %arg19: memref<!tpu.dma_semaphore, #tpu.memory_space<semaphore_mem>>, %arg20: memref<!tpu.dma_semaphore, #tpu.memory_space<semaphore_mem>>, %arg21: memref<!tpu.dma_semaphore, #tpu.memory_space<semaphore_mem>>, %arg22: memref<80xi32, #tpu.memory_space<vmem>>, %arg23: memref<80xi32, #tpu.memory_space<vmem>>, %arg24: memref<80x128xf32, #tpu.memory_space<vmem>>, %arg25: memref<!tpu.dma_semaphore, #tpu.memory_space<semaphore_mem>>, %arg26: memref<!tpu.dma_semaphore, #tpu.memory_space<semaphore_mem>>, %arg27: memref<!tpu.dma_semaphore, #tpu.memory_space<semaphore_mem>>, %arg28: memref<80xi32, #tpu.memory_space<vmem>>, %arg29: memref<80xi32, #tpu.memory_space<vmem>>, %arg30: memref<80x128xf32, #tpu.memory_space<vmem>>, %arg31: memref<!tpu.dma_semaphore, #tpu.memory_space<semaphore_mem>>, %arg32: memref<!tpu.dma_semaphore, #tpu.memory_space<semaphore_mem>>, %arg33: memref<!tpu.dma_semaphore, #tpu.memory_space<semaphore_mem>>) attributes {dimension_semantics = [#tpu.dimension_semantics<core_parallel>, #tpu.dimension_semantics<subcore_parallel>], iteration_bounds = array<i64: 2, 16>, scalar_prefetch = 0 : i64, scratch_operands = 25 : i64, tpu.core_type = #tpu.core_type<sc_vector_subcore>, window_params = [{transform_indices = #map}, {transform_indices = #map1}, {transform_indices = #map1}, {transform_indices = #map}, {transform_indices = #map1}, {transform_indices = #map1}, {transform_indices = #map2}]} {
    %mul3A = arith.constant 2 : i32
    %mul3A_0 = arith.muli %arg1, %mul3A : i32
    %add3A = arith.addi %mul3A_0, %arg0 : i32
    %mul3A_1 = arith.constant 640 : i32
    %mul3A_2 = arith.muli %arg1, %mul3A_1 : i32
    %multiple_of3A = tpu.assume_multiple %mul3A_2, 128 : i32
    %mul3A_3 = arith.constant 625 : i32
    %mul3A_4 = arith.muli %arg1, %mul3A_3 : i32
    %add3A_5 = arith.constant 0 : i32
    %add3A_6 = arith.addi %mul3A_4, %add3A_5 : i32
    %dma_start3A = arith.constant 0 : i32
    %dma_start3A_7 = tpu.memref_slice %arg9[%add3A_6, %dma_start3A] : memref<10000x128xf32, #tpu.memory_space<vmem_shared>> -> memref<125x128xf32, #tpu.memory_space<vmem_shared>>
    tpu.enqueue_dma source(%arg5 : memref<125x128xf32, #tpu.memory_space<hbm>>) target(%dma_start3A_7 : memref<125x128xf32, #tpu.memory_space<vmem_shared>>) target_semaphore(%arg15 : memref<!tpu.dma_semaphore, #tpu.memory_space<semaphore_mem>>)
    %mul3A_8 = arith.constant 625 : i32
    %mul3A_9 = arith.muli %arg1, %mul3A_8 : i32
    %add3A_10 = arith.constant 125 : i32
    %add3A_11 = arith.addi %mul3A_9, %add3A_10 : i32
    %dma_start3A_12 = arith.constant 0 : i32
    %dma_start3A_13 = tpu.memref_slice %arg9[%add3A_11, %dma_start3A_12] : memref<10000x128xf32, #tpu.memory_space<vmem_shared>> -> memref<125x128xf32, #tpu.memory_space<vmem_shared>>
    tpu.enqueue_dma source(%arg5 : memref<125x128xf32, #tpu.memory_space<hbm>>) target(%dma_start3A_13 : memref<125x128xf32, #tpu.memory_space<vmem_shared>>) target_semaphore(%arg15 : memref<!tpu.dma_semaphore, #tpu.memory_space<semaphore_mem>>)
    %mul3A_14 = arith.constant 625 : i32
    %mul3A_15 = arith.muli %arg1, %mul3A_14 : i32
    %add3A_16 = arith.constant 250 : i32
    %add3A_17 = arith.addi %mul3A_15, %add3A_16 : i32
    %dma_start3A_18 = arith.constant 0 : i32
    %dma_start3A_19 = tpu.memref_slice %arg9[%add3A_17, %dma_start3A_18] : memref<10000x128xf32, #tpu.memory_space<vmem_shared>> -> memref<125x128xf32, #tpu.memory_space<vmem_shared>>
    tpu.enqueue_dma source(%arg5 : memref<125x128xf32, #tpu.memory_space<hbm>>) target(%dma_start3A_19 : memref<125x128xf32, #tpu.memory_space<vmem_shared>>) target_semaphore(%arg15 : memref<!tpu.dma_semaphore, #tpu.memory_space<semaphore_mem>>)
    %mul3A_20 = arith.constant 625 : i32
    %mul3A_21 = arith.muli %arg1, %mul3A_20 : i32
    %add3A_22 = arith.constant 375 : i32
    %add3A_23 = arith.addi %mul3A_21, %add3A_22 : i32
    %dma_start3A_24 = arith.constant 0 : i32
    %dma_start3A_25 = tpu.memref_slice %arg9[%add3A_23, %dma_start3A_24] : memref<10000x128xf32, #tpu.memory_space<vmem_shared>> -> memref<125x128xf32, #tpu.memory_space<vmem_shared>>
    tpu.enqueue_dma source(%arg5 : memref<125x128xf32, #tpu.memory_space<hbm>>) target(%dma_start3A_25 : memref<125x128xf32, #tpu.memory_space<vmem_shared>>) target_semaphore(%arg15 : memref<!tpu.dma_semaphore, #tpu.memory_space<semaphore_mem>>)
    %mul3A_26 = arith.constant 625 : i32
    %mul3A_27 = arith.muli %arg1, %mul3A_26 : i32
    %add3A_28 = arith.constant 500 : i32
    %add3A_29 = arith.addi %mul3A_27, %add3A_28 : i32
    %dma_start3A_30 = arith.constant 0 : i32
    %dma_start3A_31 = tpu.memref_slice %arg9[%add3A_29, %dma_start3A_30] : memref<10000x128xf32, #tpu.memory_space<vmem_shared>> -> memref<125x128xf32, #tpu.memory_space<vmem_shared>>
    tpu.enqueue_dma source(%arg5 : memref<125x128xf32, #tpu.memory_space<hbm>>) target(%dma_start3A_31 : memref<125x128xf32, #tpu.memory_space<vmem_shared>>) target_semaphore(%arg15 : memref<!tpu.dma_semaphore, #tpu.memory_space<semaphore_mem>>)
    %mul3A_32 = arith.constant 10000 : i32
    %mul3A_33 = arith.muli %add3A, %mul3A_32 : i32
    %add3A_34 = arith.constant 0 : i32
    %add3A_35 = arith.addi %mul3A_33, %add3A_34 : i32
    %multiple_of3A_36 = tpu.assume_multiple %add3A_35, 8 : i32
    %dma_start3A_37 = tpu.memref_slice %arg3[%multiple_of3A_36] : memref<320000xi32, #tpu.memory_space<hbm>> -> memref<80xi32, #tpu.memory_space<hbm>>
    %dma_start3A_38 = tpu.memref_slice %arg3[%multiple_of3A_36] : memref<320000xi32, #tpu.memory_space<hbm>> -> memref<80xi32, #tpu.memory_space<hbm>>
    tpu.enqueue_dma source(%dma_start3A_38 : memref<80xi32, #tpu.memory_space<hbm>>) target(%arg10 : memref<80xi32, #tpu.memory_space<vmem>>) target_semaphore(%arg13 : memref<!tpu.dma_semaphore, #tpu.memory_space<semaphore_mem>>)
    %dma_start3A_39 = tpu.memref_slice %arg4[%multiple_of3A_36] : memref<320000xi32, #tpu.memory_space<hbm>> -> memref<80xi32, #tpu.memory_space<hbm>>
    %dma_start3A_40 = tpu.memref_slice %arg4[%multiple_of3A_36] : memref<320000xi32, #tpu.memory_space<hbm>> -> memref<80xi32, #tpu.memory_space<hbm>>
    tpu.enqueue_dma source(%dma_start3A_40 : memref<80xi32, #tpu.memory_space<hbm>>) target(%arg11 : memref<80xi32, #tpu.memory_space<vmem>>) target_semaphore(%arg13 : memref<!tpu.dma_semaphore, #tpu.memory_space<semaphore_mem>>)
    %mul3A_41 = arith.constant 10000 : i32
    %mul3A_42 = arith.muli %add3A, %mul3A_41 : i32
    %add3A_43 = arith.constant 80 : i32
    %add3A_44 = arith.addi %mul3A_42, %add3A_43 : i32
    %multiple_of3A_45 = tpu.assume_multiple %add3A_44, 8 : i32
    %dma_start3A_46 = tpu.memref_slice %arg3[%multiple_of3A_45] : memref<320000xi32, #tpu.memory_space<hbm>> -> memref<80xi32, #tpu.memory_space<hbm>>
    %dma_start3A_47 = tpu.memref_slice %arg3[%multiple_of3A_45] : memref<320000xi32, #tpu.memory_space<hbm>> -> memref<80xi32, #tpu.memory_space<hbm>>
    tpu.enqueue_dma source(%dma_start3A_47 : memref<80xi32, #tpu.memory_space<hbm>>) target(%arg16 : memref<80xi32, #tpu.memory_space<vmem>>) target_semaphore(%arg19 : memref<!tpu.dma_semaphore, #tpu.memory_space<semaphore_mem>>)
    %dma_start3A_48 = tpu.memref_slice %arg4[%multiple_of3A_45] : memref<320000xi32, #tpu.memory_space<hbm>> -> memref<80xi32, #tpu.memory_space<hbm>>
    %dma_start3A_49 = tpu.memref_slice %arg4[%multiple_of3A_45] : memref<320000xi32, #tpu.memory_space<hbm>> -> memref<80xi32, #tpu.memory_space<hbm>>
    tpu.enqueue_dma source(%dma_start3A_49 : memref<80xi32, #tpu.memory_space<hbm>>) target(%arg17 : memref<80xi32, #tpu.memory_space<vmem>>) target_semaphore(%arg19 : memref<!tpu.dma_semaphore, #tpu.memory_space<semaphore_mem>>)
    %mul3A_50 = arith.constant 10000 : i32
    %mul3A_51 = arith.muli %add3A, %mul3A_50 : i32
    %add3A_52 = arith.constant 160 : i32
    %add3A_53 = arith.addi %mul3A_51, %add3A_52 : i32
    %multiple_of3A_54 = tpu.assume_multiple %add3A_53, 8 : i32
    %dma_start3A_55 = tpu.memref_slice %arg3[%multiple_of3A_54] : memref<320000xi32, #tpu.memory_space<hbm>> -> memref<80xi32, #tpu.memory_space<hbm>>
    %dma_start3A_56 = tpu.memref_slice %arg3[%multiple_of3A_54] : memref<320000xi32, #tpu.memory_space<hbm>> -> memref<80xi32, #tpu.memory_space<hbm>>
    tpu.enqueue_dma source(%dma_start3A_56 : memref<80xi32, #tpu.memory_space<hbm>>) target(%arg22 : memref<80xi32, #tpu.memory_space<vmem>>) target_semaphore(%arg25 : memref<!tpu.dma_semaphore, #tpu.memory_space<semaphore_mem>>)
    %dma_start3A_57 = tpu.memref_slice %arg4[%multiple_of3A_54] : memref<320000xi32, #tpu.memory_space<hbm>> -> memref<80xi32, #tpu.memory_space<hbm>>
    %dma_start3A_58 = tpu.memref_slice %arg4[%multiple_of3A_54] : memref<320000xi32, #tpu.memory_space<hbm>> -> memref<80xi32, #tpu.memory_space<hbm>>
    tpu.enqueue_dma source(%dma_start3A_58 : memref<80xi32, #tpu.memory_space<hbm>>) target(%arg23 : memref<80xi32, #tpu.memory_space<vmem>>) target_semaphore(%arg25 : memref<!tpu.dma_semaphore, #tpu.memory_space<semaphore_mem>>)
    %dma_wait3A = arith.constant 0 : i32
    %dma_wait3A_59 = tpu.memref_slice %arg3[%dma_wait3A] : memref<320000xi32, #tpu.memory_space<hbm>> -> memref<80xi32, #tpu.memory_space<hbm>>
    %dma_wait3A_60 = arith.constant 0 : i32
    %dma_wait3A_61 = tpu.memref_slice %arg3[%dma_wait3A_60] : memref<320000xi32, #tpu.memory_space<hbm>> -> memref<80xi32, #tpu.memory_space<hbm>>
    tpu.wait_dma2 semaphore(%arg13 : memref<!tpu.dma_semaphore, #tpu.memory_space<semaphore_mem>>) src(%dma_wait3A_61 : memref<80xi32, #tpu.memory_space<hbm>>) dst(%arg10 : memref<80xi32, #tpu.memory_space<vmem>>)
    %dma_wait3A_62 = arith.constant 0 : i32
    %dma_wait3A_63 = tpu.memref_slice %arg4[%dma_wait3A_62] : memref<320000xi32, #tpu.memory_space<hbm>> -> memref<80xi32, #tpu.memory_space<hbm>>
    %dma_wait3A_64 = arith.constant 0 : i32
    %dma_wait3A_65 = tpu.memref_slice %arg4[%dma_wait3A_64] : memref<320000xi32, #tpu.memory_space<hbm>> -> memref<80xi32, #tpu.memory_space<hbm>>
    tpu.wait_dma2 semaphore(%arg13 : memref<!tpu.dma_semaphore, #tpu.memory_space<semaphore_mem>>) src(%dma_wait3A_65 : memref<80xi32, #tpu.memory_space<hbm>>) dst(%arg11 : memref<80xi32, #tpu.memory_space<vmem>>)
    %dma_start3A_66 = arith.constant 0 : i32
    %dma_start3A_67 = arith.constant 0 : i32
    %dma_start3A_68 = tpu.memref_slice %arg2[%dma_start3A_66, %dma_start3A_67] : memref<10000x128xf32, #tpu.memory_space<hbm>> -> memref<10000x128xf32, #tpu.memory_space<hbm>>
    tpu.enqueue_indirect_dma source(%dma_start3A_68 : memref<10000x128xf32, #tpu.memory_space<hbm>>) target(%arg12 : memref<80x128xf32, #tpu.memory_space<vmem>>) offsets(%arg10 : memref<80xi32, #tpu.memory_space<vmem>>) semaphore(%arg14 : memref<!tpu.dma_semaphore, #tpu.memory_space<semaphore_mem>>)
    %dma_wait3A_69 = arith.constant 0 : i32
    %dma_wait3A_70 = tpu.memref_slice %arg3[%dma_wait3A_69] : memref<320000xi32, #tpu.memory_space<hbm>> -> memref<80xi32, #tpu.memory_space<hbm>>
    %dma_wait3A_71 = arith.constant 0 : i32
    %dma_wait3A_72 = tpu.memref_slice %arg3[%dma_wait3A_71] : memref<320000xi32, #tpu.memory_space<hbm>> -> memref<80xi32, #tpu.memory_space<hbm>>
    tpu.wait_dma2 semaphore(%arg19 : memref<!tpu.dma_semaphore, #tpu.memory_space<semaphore_mem>>) src(%dma_wait3A_72 : memref<80xi32, #tpu.memory_space<hbm>>) dst(%arg16 : memref<80xi32, #tpu.memory_space<vmem>>)
    %dma_wait3A_73 = arith.constant 0 : i32
    %dma_wait3A_74 = tpu.memref_slice %arg4[%dma_wait3A_73] : memref<320000xi32, #tpu.memory_space<hbm>> -> memref<80xi32, #tpu.memory_space<hbm>>
    %dma_wait3A_75 = arith.constant 0 : i32
    %dma_wait3A_76 = tpu.memref_slice %arg4[%dma_wait3A_75] : memref<320000xi32, #tpu.memory_space<hbm>> -> memref<80xi32, #tpu.memory_space<hbm>>
    tpu.wait_dma2 semaphore(%arg19 : memref<!tpu.dma_semaphore, #tpu.memory_space<semaphore_mem>>) src(%dma_wait3A_76 : memref<80xi32, #tpu.memory_space<hbm>>) dst(%arg17 : memref<80xi32, #tpu.memory_space<vmem>>)
    %dma_start3A_77 = arith.constant 0 : i32
    %dma_start3A_78 = arith.constant 0 : i32
    %dma_start3A_79 = tpu.memref_slice %arg2[%dma_start3A_77, %dma_start3A_78] : memref<10000x128xf32, #tpu.memory_space<hbm>> -> memref<10000x128xf32, #tpu.memory_space<hbm>>
    tpu.enqueue_indirect_dma source(%dma_start3A_79 : memref<10000x128xf32, #tpu.memory_space<hbm>>) target(%arg18 : memref<80x128xf32, #tpu.memory_space<vmem>>) offsets(%arg16 : memref<80xi32, #tpu.memory_space<vmem>>) semaphore(%arg20 : memref<!tpu.dma_semaphore, #tpu.memory_space<semaphore_mem>>)
    %mul3A_80 = arith.constant 625 : i32
    %mul3A_81 = arith.muli %arg1, %mul3A_80 : i32
    %add3A_82 = arith.constant 0 : i32
    %add3A_83 = arith.addi %mul3A_81, %add3A_82 : i32
    %dma_wait3A_84 = arith.constant 0 : i32
    %dma_wait3A_85 = tpu.memref_slice %arg9[%add3A_83, %dma_wait3A_84] : memref<10000x128xf32, #tpu.memory_space<vmem_shared>> -> memref<125x128xf32, #tpu.memory_space<vmem_shared>>
    tpu.wait_dma2 semaphore(%arg15 : memref<!tpu.dma_semaphore, #tpu.memory_space<semaphore_mem>>) src(%arg5 : memref<125x128xf32, #tpu.memory_space<hbm>>) dst(%dma_wait3A_85 : memref<125x128xf32, #tpu.memory_space<vmem_shared>>)
    %mul3A_86 = arith.constant 625 : i32
    %mul3A_87 = arith.muli %arg1, %mul3A_86 : i32
    %add3A_88 = arith.constant 125 : i32
    %add3A_89 = arith.addi %mul3A_87, %add3A_88 : i32
    %dma_wait3A_90 = arith.constant 0 : i32
    %dma_wait3A_91 = tpu.memref_slice %arg9[%add3A_89, %dma_wait3A_90] : memref<10000x128xf32, #tpu.memory_space<vmem_shared>> -> memref<125x128xf32, #tpu.memory_space<vmem_shared>>
    tpu.wait_dma2 semaphore(%arg15 : memref<!tpu.dma_semaphore, #tpu.memory_space<semaphore_mem>>) src(%arg5 : memref<125x128xf32, #tpu.memory_space<hbm>>) dst(%dma_wait3A_91 : memref<125x128xf32, #tpu.memory_space<vmem_shared>>)
    %mul3A_92 = arith.constant 625 : i32
    %mul3A_93 = arith.muli %arg1, %mul3A_92 : i32
    %add3A_94 = arith.constant 250 : i32
    %add3A_95 = arith.addi %mul3A_93, %add3A_94 : i32
    %dma_wait3A_96 = arith.constant 0 : i32
    %dma_wait3A_97 = tpu.memref_slice %arg9[%add3A_95, %dma_wait3A_96] : memref<10000x128xf32, #tpu.memory_space<vmem_shared>> -> memref<125x128xf32, #tpu.memory_space<vmem_shared>>
    tpu.wait_dma2 semaphore(%arg15 : memref<!tpu.dma_semaphore, #tpu.memory_space<semaphore_mem>>) src(%arg5 : memref<125x128xf32, #tpu.memory_space<hbm>>) dst(%dma_wait3A_97 : memref<125x128xf32, #tpu.memory_space<vmem_shared>>)
    %mul3A_98 = arith.constant 625 : i32
    %mul3A_99 = arith.muli %arg1, %mul3A_98 : i32
    %add3A_100 = arith.constant 375 : i32
    %add3A_101 = arith.addi %mul3A_99, %add3A_100 : i32
    %dma_wait3A_102 = arith.constant 0 : i32
    %dma_wait3A_103 = tpu.memref_slice %arg9[%add3A_101, %dma_wait3A_102] : memref<10000x128xf32, #tpu.memory_space<vmem_shared>> -> memref<125x128xf32, #tpu.memory_space<vmem_shared>>
    tpu.wait_dma2 semaphore(%arg15 : memref<!tpu.dma_semaphore, #tpu.memory_space<semaphore_mem>>) src(%arg5 : memref<125x128xf32, #tpu.memory_space<hbm>>) dst(%dma_wait3A_103 : memref<125x128xf32, #tpu.memory_space<vmem_shared>>)
    %mul3A_104 = arith.constant 625 : i32
    %mul3A_105 = arith.muli %arg1, %mul3A_104 : i32
    %add3A_106 = arith.constant 500 : i32
    %add3A_107 = arith.addi %mul3A_105, %add3A_106 : i32
    %dma_wait3A_108 = arith.constant 0 : i32
    %dma_wait3A_109 = tpu.memref_slice %arg9[%add3A_107, %dma_wait3A_108] : memref<10000x128xf32, #tpu.memory_space<vmem_shared>> -> memref<125x128xf32, #tpu.memory_space<vmem_shared>>
    tpu.wait_dma2 semaphore(%arg15 : memref<!tpu.dma_semaphore, #tpu.memory_space<semaphore_mem>>) src(%arg5 : memref<125x128xf32, #tpu.memory_space<hbm>>) dst(%dma_wait3A_109 : memref<125x128xf32, #tpu.memory_space<vmem_shared>>)
    %barrier3A = arith.constant 0 : index
    tpu.barrier barrier_id(%barrier3A)
    %scan3A = arith.constant 0 : i32
    %scan3A_110 = arith.constant 0 : i32
    %scan3A_111 = arith.constant 32 : i32
    %scan3A_112 = arith.addi %scan3A_110, %scan3A_111 : i32
    %scan3A_113 = arith.constant 1 : i32
    scf.for %scan3A_125 = %scan3A_110 to %scan3A_112 step %scan3A_113  : i32 {
      %mul3A_126 = arith.constant 4 : i32
      %mul3A_127 = arith.muli %mul3A_126, %scan3A_125 : i32
      %add3A_128 = arith.constant 0 : i32
      %add3A_129 = arith.addi %mul3A_127, %add3A_128 : i32
      %lt3A_130 = arith.constant 125 : i32
      %lt3A_131 = arith.cmpi slt, %add3A_129, %lt3A_130 : i32
      %convert_element_type3A_132 = arith.extui %lt3A_131 : i1 to i32
      %cond3A_133 = arith.constant 0 : i32
      %cond3A_134 = arith.cmpi ne, %convert_element_type3A_132, %cond3A_133 : i32
      scf.if %cond3A_134 {
        %add3A_162 = arith.constant 2 : i32
        %add3A_163 = arith.addi %add3A_129, %add3A_162 : i32
        %lt3A_164 = arith.constant 125 : i32
        %lt3A_165 = arith.cmpi slt, %add3A_163, %lt3A_164 : i32
        %convert_element_type3A_166 = arith.extui %lt3A_165 : i1 to i32
        %cond3A_167 = arith.constant 0 : i32
        %cond3A_168 = arith.cmpi ne, %convert_element_type3A_166, %cond3A_167 : i32
        scf.if %cond3A_168 {
          %dma_wait3A_187 = arith.constant 0 : i32
          %dma_wait3A_188 = tpu.memref_slice %arg3[%dma_wait3A_187] : memref<320000xi32, #tpu.memory_space<hbm>> -> memref<80xi32, #tpu.memory_space<hbm>>
          %dma_wait3A_189 = arith.constant 0 : i32
          %dma_wait3A_190 = tpu.memref_slice %arg3[%dma_wait3A_189] : memref<320000xi32, #tpu.memory_space<hbm>> -> memref<80xi32, #tpu.memory_space<hbm>>
          tpu.wait_dma2 semaphore(%arg25 : memref<!tpu.dma_semaphore, #tpu.memory_space<semaphore_mem>>) src(%dma_wait3A_190 : memref<80xi32, #tpu.memory_space<hbm>>) dst(%arg22 : memref<80xi32, #tpu.memory_space<vmem>>)
          %dma_wait3A_191 = arith.constant 0 : i32
          %dma_wait3A_192 = tpu.memref_slice %arg4[%dma_wait3A_191] : memref<320000xi32, #tpu.memory_space<hbm>> -> memref<80xi32, #tpu.memory_space<hbm>>
          %dma_wait3A_193 = arith.constant 0 : i32
          %dma_wait3A_194 = tpu.memref_slice %arg4[%dma_wait3A_193] : memref<320000xi32, #tpu.memory_space<hbm>> -> memref<80xi32, #tpu.memory_space<hbm>>
          tpu.wait_dma2 semaphore(%arg25 : memref<!tpu.dma_semaphore, #tpu.memory_space<semaphore_mem>>) src(%dma_wait3A_194 : memref<80xi32, #tpu.memory_space<hbm>>) dst(%arg23 : memref<80xi32, #tpu.memory_space<vmem>>)
          %dma_start3A_195 = arith.constant 0 : i32
          %dma_start3A_196 = arith.constant 0 : i32
          %dma_start3A_197 = tpu.memref_slice %arg2[%dma_start3A_195, %dma_start3A_196] : memref<10000x128xf32, #tpu.memory_space<hbm>> -> memref<10000x128xf32, #tpu.memory_space<hbm>>
          tpu.enqueue_indirect_dma source(%dma_start3A_197 : memref<10000x128xf32, #tpu.memory_space<hbm>>) target(%arg24 : memref<80x128xf32, #tpu.memory_space<vmem>>) offsets(%arg22 : memref<80xi32, #tpu.memory_space<vmem>>) semaphore(%arg26 : memref<!tpu.dma_semaphore, #tpu.memory_space<semaphore_mem>>)
        } else {
        }
        %dma_wait3A_169 = arith.constant 0 : i32
        %dma_wait3A_170 = arith.constant 0 : i32
        %dma_wait3A_171 = tpu.memref_slice %arg2[%dma_wait3A_169, %dma_wait3A_170] : memref<10000x128xf32, #tpu.memory_space<hbm>> -> memref<10000x128xf32, #tpu.memory_space<hbm>>
        tpu.wait_indirect_dma semaphore(%arg14 : memref<!tpu.dma_semaphore, #tpu.memory_space<semaphore_mem>>) src(%dma_wait3A_171 : memref<10000x128xf32, #tpu.memory_space<hbm>>) dst(%arg12 : memref<80x128xf32, #tpu.memory_space<vmem>>)
        %dma_start3A_172 = arith.constant 0 : i32
        %dma_start3A_173 = arith.constant 0 : i32
        %dma_start3A_174 = tpu.memref_slice %arg9[%dma_start3A_172, %dma_start3A_173] : memref<10000x128xf32, #tpu.memory_space<vmem_shared>> -> memref<10000x128xf32, #tpu.memory_space<vmem_shared>>
        tpu.enqueue_indirect_dma source(%arg12 : memref<80x128xf32, #tpu.memory_space<vmem>>) target(%dma_start3A_174 : memref<10000x128xf32, #tpu.memory_space<vmem_shared>>) offsets(%arg11 : memref<80xi32, #tpu.memory_space<vmem>>) semaphore(%arg15 : memref<!tpu.dma_semaphore, #tpu.memory_space<semaphore_mem>>) {add = true}
        %ge3A = arith.constant 1 : i32
        %ge3A_175 = arith.cmpi sge, %add3A_129, %ge3A : i32
        %convert_element_type3A_176 = arith.extui %ge3A_175 : i1 to i32
        %cond3A_177 = arith.constant 0 : i32
        %cond3A_178 = arith.cmpi ne, %convert_element_type3A_176, %cond3A_177 : i32
        scf.if %cond3A_178 {
          %dma_wait3A_187 = arith.constant 0 : i32
          %dma_wait3A_188 = arith.constant 0 : i32
          %dma_wait3A_189 = tpu.memref_slice %arg9[%dma_wait3A_187, %dma_wait3A_188] : memref<10000x128xf32, #tpu.memory_space<vmem_shared>> -> memref<10000x128xf32, #tpu.memory_space<vmem_shared>>
          tpu.wait_indirect_dma semaphore(%arg33 : memref<!tpu.dma_semaphore, #tpu.memory_space<semaphore_mem>>) src(%arg30 : memref<80x128xf32, #tpu.memory_space<vmem>>) dst(%dma_wait3A_189 : memref<10000x128xf32, #tpu.memory_space<vmem_shared>>)
        } else {
        }
        %add3A_179 = arith.constant 4 : i32
        %add3A_180 = arith.addi %add3A_129, %add3A_179 : i32
        %sub3A = arith.constant 1 : i32
        %sub3A_181 = arith.subi %add3A_180, %sub3A : i32
        %lt3A_182 = arith.constant 125 : i32
        %lt3A_183 = arith.cmpi slt, %sub3A_181, %lt3A_182 : i32
        %convert_element_type3A_184 = arith.extui %lt3A_183 : i1 to i32
        %cond3A_185 = arith.constant 0 : i32
        %cond3A_186 = arith.cmpi ne, %convert_element_type3A_184, %cond3A_185 : i32
        scf.if %cond3A_186 {
          %add3A_187 = arith.constant 4 : i32
          %add3A_188 = arith.addi %add3A_129, %add3A_187 : i32
          %sub3A_189 = arith.constant 1 : i32
          %sub3A_190 = arith.subi %add3A_188, %sub3A_189 : i32
          %mul3A_191 = arith.constant 10000 : i32
          %mul3A_192 = arith.muli %add3A, %mul3A_191 : i32
          %mul3A_193 = arith.constant 80 : i32
          %mul3A_194 = arith.muli %sub3A_190, %mul3A_193 : i32
          %add3A_195 = arith.addi %mul3A_192, %mul3A_194 : i32
          %multiple_of3A_196 = tpu.assume_multiple %add3A_195, 8 : i32
          %dma_start3A_197 = tpu.memref_slice %arg3[%multiple_of3A_196] : memref<320000xi32, #tpu.memory_space<hbm>> -> memref<80xi32, #tpu.memory_space<hbm>>
          %dma_start3A_198 = tpu.memref_slice %arg3[%multiple_of3A_196] : memref<320000xi32, #tpu.memory_space<hbm>> -> memref<80xi32, #tpu.memory_space<hbm>>
          tpu.enqueue_dma source(%dma_start3A_198 : memref<80xi32, #tpu.memory_space<hbm>>) target(%arg28 : memref<80xi32, #tpu.memory_space<vmem>>) target_semaphore(%arg31 : memref<!tpu.dma_semaphore, #tpu.memory_space<semaphore_mem>>)
          %dma_start3A_199 = tpu.memref_slice %arg4[%multiple_of3A_196] : memref<320000xi32, #tpu.memory_space<hbm>> -> memref<80xi32, #tpu.memory_space<hbm>>
          %dma_start3A_200 = tpu.memref_slice %arg4[%multiple_of3A_196] : memref<320000xi32, #tpu.memory_space<hbm>> -> memref<80xi32, #tpu.memory_space<hbm>>
          tpu.enqueue_dma source(%dma_start3A_200 : memref<80xi32, #tpu.memory_space<hbm>>) target(%arg29 : memref<80xi32, #tpu.memory_space<vmem>>) target_semaphore(%arg31 : memref<!tpu.dma_semaphore, #tpu.memory_space<semaphore_mem>>)
        } else {
        }
      } else {
      }
      %mul3A_135 = arith.constant 4 : i32
      %mul3A_136 = arith.muli %mul3A_135, %scan3A_125 : i32
      %add3A_137 = arith.constant 1 : i32
      %add3A_138 = arith.addi %mul3A_136, %add3A_137 : i32
      %lt3A_139 = arith.constant 125 : i32
      %lt3A_140 = arith.cmpi slt, %add3A_138, %lt3A_139 : i32
      %convert_element_type3A_141 = arith.extui %lt3A_140 : i1 to i32
      %cond3A_142 = arith.constant 0 : i32
      %cond3A_143 = arith.cmpi ne, %convert_element_type3A_141, %cond3A_142 : i32
      scf.if %cond3A_143 {
        %add3A_162 = arith.constant 2 : i32
        %add3A_163 = arith.addi %add3A_138, %add3A_162 : i32
        %lt3A_164 = arith.constant 125 : i32
        %lt3A_165 = arith.cmpi slt, %add3A_163, %lt3A_164 : i32
        %convert_element_type3A_166 = arith.extui %lt3A_165 : i1 to i32
        %cond3A_167 = arith.constant 0 : i32
        %cond3A_168 = arith.cmpi ne, %convert_element_type3A_166, %cond3A_167 : i32
        scf.if %cond3A_168 {
          %dma_wait3A_187 = arith.constant 0 : i32
          %dma_wait3A_188 = tpu.memref_slice %arg3[%dma_wait3A_187] : memref<320000xi32, #tpu.memory_space<hbm>> -> memref<80xi32, #tpu.memory_space<hbm>>
          %dma_wait3A_189 = arith.constant 0 : i32
          %dma_wait3A_190 = tpu.memref_slice %arg3[%dma_wait3A_189] : memref<320000xi32, #tpu.memory_space<hbm>> -> memref<80xi32, #tpu.memory_space<hbm>>
          tpu.wait_dma2 semaphore(%arg31 : memref<!tpu.dma_semaphore, #tpu.memory_space<semaphore_mem>>) src(%dma_wait3A_190 : memref<80xi32, #tpu.memory_space<hbm>>) dst(%arg28 : memref<80xi32, #tpu.memory_space<vmem>>)
          %dma_wait3A_191 = arith.constant 0 : i32
          %dma_wait3A_192 = tpu.memref_slice %arg4[%dma_wait3A_191] : memref<320000xi32, #tpu.memory_space<hbm>> -> memref<80xi32, #tpu.memory_space<hbm>>
          %dma_wait3A_193 = arith.constant 0 : i32
          %dma_wait3A_194 = tpu.memref_slice %arg4[%dma_wait3A_193] : memref<320000xi32, #tpu.memory_space<hbm>> -> memref<80xi32, #tpu.memory_space<hbm>>
          tpu.wait_dma2 semaphore(%arg31 : memref<!tpu.dma_semaphore, #tpu.memory_space<semaphore_mem>>) src(%dma_wait3A_194 : memref<80xi32, #tpu.memory_space<hbm>>) dst(%arg29 : memref<80xi32, #tpu.memory_space<vmem>>)
          %dma_start3A_195 = arith.constant 0 : i32
          %dma_start3A_196 = arith.constant 0 : i32
          %dma_start3A_197 = tpu.memref_slice %arg2[%dma_start3A_195, %dma_start3A_196] : memref<10000x128xf32, #tpu.memory_space<hbm>> -> memref<10000x128xf32, #tpu.memory_space<hbm>>
          tpu.enqueue_indirect_dma source(%dma_start3A_197 : memref<10000x128xf32, #tpu.memory_space<hbm>>) target(%arg30 : memref<80x128xf32, #tpu.memory_space<vmem>>) offsets(%arg28 : memref<80xi32, #tpu.memory_space<vmem>>) semaphore(%arg32 : memref<!tpu.dma_semaphore, #tpu.memory_space<semaphore_mem>>)
        } else {
        }
        %dma_wait3A_169 = arith.constant 0 : i32
        %dma_wait3A_170 = arith.constant 0 : i32
        %dma_wait3A_171 = tpu.memref_slice %arg2[%dma_wait3A_169, %dma_wait3A_170] : memref<10000x128xf32, #tpu.memory_space<hbm>> -> memref<10000x128xf32, #tpu.memory_space<hbm>>
        tpu.wait_indirect_dma semaphore(%arg20 : memref<!tpu.dma_semaphore, #tpu.memory_space<semaphore_mem>>) src(%dma_wait3A_171 : memref<10000x128xf32, #tpu.memory_space<hbm>>) dst(%arg18 : memref<80x128xf32, #tpu.memory_space<vmem>>)
        %dma_start3A_172 = arith.constant 0 : i32
        %dma_start3A_173 = arith.constant 0 : i32
        %dma_start3A_174 = tpu.memref_slice %arg9[%dma_start3A_172, %dma_start3A_173] : memref<10000x128xf32, #tpu.memory_space<vmem_shared>> -> memref<10000x128xf32, #tpu.memory_space<vmem_shared>>
        tpu.enqueue_indirect_dma source(%arg18 : memref<80x128xf32, #tpu.memory_space<vmem>>) target(%dma_start3A_174 : memref<10000x128xf32, #tpu.memory_space<vmem_shared>>) offsets(%arg17 : memref<80xi32, #tpu.memory_space<vmem>>) semaphore(%arg21 : memref<!tpu.dma_semaphore, #tpu.memory_space<semaphore_mem>>) {add = true}
        %ge3A = arith.constant 1 : i32
        %ge3A_175 = arith.cmpi sge, %add3A_138, %ge3A : i32
        %convert_element_type3A_176 = arith.extui %ge3A_175 : i1 to i32
        %cond3A_177 = arith.constant 0 : i32
        %cond3A_178 = arith.cmpi ne, %convert_element_type3A_176, %cond3A_177 : i32
        scf.if %cond3A_178 {
          %dma_wait3A_187 = arith.constant 0 : i32
          %dma_wait3A_188 = arith.constant 0 : i32
          %dma_wait3A_189 = tpu.memref_slice %arg9[%dma_wait3A_187, %dma_wait3A_188] : memref<10000x128xf32, #tpu.memory_space<vmem_shared>> -> memref<10000x128xf32, #tpu.memory_space<vmem_shared>>
          tpu.wait_indirect_dma semaphore(%arg15 : memref<!tpu.dma_semaphore, #tpu.memory_space<semaphore_mem>>) src(%arg12 : memref<80x128xf32, #tpu.memory_space<vmem>>) dst(%dma_wait3A_189 : memref<10000x128xf32, #tpu.memory_space<vmem_shared>>)
        } else {
        }
        %add3A_179 = arith.constant 4 : i32
        %add3A_180 = arith.addi %add3A_138, %add3A_179 : i32
        %sub3A = arith.constant 1 : i32
        %sub3A_181 = arith.subi %add3A_180, %sub3A : i32
        %lt3A_182 = arith.constant 125 : i32
        %lt3A_183 = arith.cmpi slt, %sub3A_181, %lt3A_182 : i32
        %convert_element_type3A_184 = arith.extui %lt3A_183 : i1 to i32
        %cond3A_185 = arith.constant 0 : i32
        %cond3A_186 = arith.cmpi ne, %convert_element_type3A_184, %cond3A_185 : i32
        scf.if %cond3A_186 {
          %add3A_187 = arith.constant 4 : i32
          %add3A_188 = arith.addi %add3A_138, %add3A_187 : i32
          %sub3A_189 = arith.constant 1 : i32
          %sub3A_190 = arith.subi %add3A_188, %sub3A_189 : i32
          %mul3A_191 = arith.constant 10000 : i32
          %mul3A_192 = arith.muli %add3A, %mul3A_191 : i32
          %mul3A_193 = arith.constant 80 : i32
          %mul3A_194 = arith.muli %sub3A_190, %mul3A_193 : i32
          %add3A_195 = arith.addi %mul3A_192, %mul3A_194 : i32
          %multiple_of3A_196 = tpu.assume_multiple %add3A_195, 8 : i32
          %dma_start3A_197 = tpu.memref_slice %arg3[%multiple_of3A_196] : memref<320000xi32, #tpu.memory_space<hbm>> -> memref<80xi32, #tpu.memory_space<hbm>>
          %dma_start3A_198 = tpu.memref_slice %arg3[%multiple_of3A_196] : memref<320000xi32, #tpu.memory_space<hbm>> -> memref<80xi32, #tpu.memory_space<hbm>>
          tpu.enqueue_dma source(%dma_start3A_198 : memref<80xi32, #tpu.memory_space<hbm>>) target(%arg10 : memref<80xi32, #tpu.memory_space<vmem>>) target_semaphore(%arg13 : memref<!tpu.dma_semaphore, #tpu.memory_space<semaphore_mem>>)
          %dma_start3A_199 = tpu.memref_slice %arg4[%multiple_of3A_196] : memref<320000xi32, #tpu.memory_space<hbm>> -> memref<80xi32, #tpu.memory_space<hbm>>
          %dma_start3A_200 = tpu.memref_slice %arg4[%multiple_of3A_196] : memref<320000xi32, #tpu.memory_space<hbm>> -> memref<80xi32, #tpu.memory_space<hbm>>
          tpu.enqueue_dma source(%dma_start3A_200 : memref<80xi32, #tpu.memory_space<hbm>>) target(%arg11 : memref<80xi32, #tpu.memory_space<vmem>>) target_semaphore(%arg13 : memref<!tpu.dma_semaphore, #tpu.memory_space<semaphore_mem>>)
        } else {
        }
      } else {
      }
      %mul3A_144 = arith.constant 4 : i32
      %mul3A_145 = arith.muli %mul3A_144, %scan3A_125 : i32
      %add3A_146 = arith.constant 2 : i32
      %add3A_147 = arith.addi %mul3A_145, %add3A_146 : i32
      %lt3A_148 = arith.constant 125 : i32
      %lt3A_149 = arith.cmpi slt, %add3A_147, %lt3A_148 : i32
      %convert_element_type3A_150 = arith.extui %lt3A_149 : i1 to i32
      %cond3A_151 = arith.constant 0 : i32
      %cond3A_152 = arith.cmpi ne, %convert_element_type3A_150, %cond3A_151 : i32
      scf.if %cond3A_152 {
        %add3A_162 = arith.constant 2 : i32
        %add3A_163 = arith.addi %add3A_147, %add3A_162 : i32
        %lt3A_164 = arith.constant 125 : i32
        %lt3A_165 = arith.cmpi slt, %add3A_163, %lt3A_164 : i32
        %convert_element_type3A_166 = arith.extui %lt3A_165 : i1 to i32
        %cond3A_167 = arith.constant 0 : i32
        %cond3A_168 = arith.cmpi ne, %convert_element_type3A_166, %cond3A_167 : i32
        scf.if %cond3A_168 {
          %dma_wait3A_187 = arith.constant 0 : i32
          %dma_wait3A_188 = tpu.memref_slice %arg3[%dma_wait3A_187] : memref<320000xi32, #tpu.memory_space<hbm>> -> memref<80xi32, #tpu.memory_space<hbm>>
          %dma_wait3A_189 = arith.constant 0 : i32
          %dma_wait3A_190 = tpu.memref_slice %arg3[%dma_wait3A_189] : memref<320000xi32, #tpu.memory_space<hbm>> -> memref<80xi32, #tpu.memory_space<hbm>>
          tpu.wait_dma2 semaphore(%arg13 : memref<!tpu.dma_semaphore, #tpu.memory_space<semaphore_mem>>) src(%dma_wait3A_190 : memref<80xi32, #tpu.memory_space<hbm>>) dst(%arg10 : memref<80xi32, #tpu.memory_space<vmem>>)
          %dma_wait3A_191 = arith.constant 0 : i32
          %dma_wait3A_192 = tpu.memref_slice %arg4[%dma_wait3A_191] : memref<320000xi32, #tpu.memory_space<hbm>> -> memref<80xi32, #tpu.memory_space<hbm>>
          %dma_wait3A_193 = arith.constant 0 : i32
          %dma_wait3A_194 = tpu.memref_slice %arg4[%dma_wait3A_193] : memref<320000xi32, #tpu.memory_space<hbm>> -> memref<80xi32, #tpu.memory_space<hbm>>
          tpu.wait_dma2 semaphore(%arg13 : memref<!tpu.dma_semaphore, #tpu.memory_space<semaphore_mem>>) src(%dma_wait3A_194 : memref<80xi32, #tpu.memory_space<hbm>>) dst(%arg11 : memref<80xi32, #tpu.memory_space<vmem>>)
          %dma_start3A_195 = arith.constant 0 : i32
          %dma_start3A_196 = arith.constant 0 : i32
          %dma_start3A_197 = tpu.memref_slice %arg2[%dma_start3A_195, %dma_start3A_196] : memref<10000x128xf32, #tpu.memory_space<hbm>> -> memref<10000x128xf32, #tpu.memory_space<hbm>>
          tpu.enqueue_indirect_dma source(%dma_start3A_197 : memref<10000x128xf32, #tpu.memory_space<hbm>>) target(%arg12 : memref<80x128xf32, #tpu.memory_space<vmem>>) offsets(%arg10 : memref<80xi32, #tpu.memory_space<vmem>>) semaphore(%arg14 : memref<!tpu.dma_semaphore, #tpu.memory_space<semaphore_mem>>)
        } else {
        }
        %dma_wait3A_169 = arith.constant 0 : i32
        %dma_wait3A_170 = arith.constant 0 : i32
        %dma_wait3A_171 = tpu.memref_slice %arg2[%dma_wait3A_169, %dma_wait3A_170] : memref<10000x128xf32, #tpu.memory_space<hbm>> -> memref<10000x128xf32, #tpu.memory_space<hbm>>
        tpu.wait_indirect_dma semaphore(%arg26 : memref<!tpu.dma_semaphore, #tpu.memory_space<semaphore_mem>>) src(%dma_wait3A_171 : memref<10000x128xf32, #tpu.memory_space<hbm>>) dst(%arg24 : memref<80x128xf32, #tpu.memory_space<vmem>>)
        %dma_start3A_172 = arith.constant 0 : i32
        %dma_start3A_173 = arith.constant 0 : i32
        %dma_start3A_174 = tpu.memref_slice %arg9[%dma_start3A_172, %dma_start3A_173] : memref<10000x128xf32, #tpu.memory_space<vmem_shared>> -> memref<10000x128xf32, #tpu.memory_space<vmem_shared>>
        tpu.enqueue_indirect_dma source(%arg24 : memref<80x128xf32, #tpu.memory_space<vmem>>) target(%dma_start3A_174 : memref<10000x128xf32, #tpu.memory_space<vmem_shared>>) offsets(%arg23 : memref<80xi32, #tpu.memory_space<vmem>>) semaphore(%arg27 : memref<!tpu.dma_semaphore, #tpu.memory_space<semaphore_mem>>) {add = true}
        %ge3A = arith.constant 1 : i32
        %ge3A_175 = arith.cmpi sge, %add3A_147, %ge3A : i32
        %convert_element_type3A_176 = arith.extui %ge3A_175 : i1 to i32
        %cond3A_177 = arith.constant 0 : i32
        %cond3A_178 = arith.cmpi ne, %convert_element_type3A_176, %cond3A_177 : i32
        scf.if %cond3A_178 {
          %dma_wait3A_187 = arith.constant 0 : i32
          %dma_wait3A_188 = arith.constant 0 : i32
          %dma_wait3A_189 = tpu.memref_slice %arg9[%dma_wait3A_187, %dma_wait3A_188] : memref<10000x128xf32, #tpu.memory_space<vmem_shared>> -> memref<10000x128xf32, #tpu.memory_space<vmem_shared>>
          tpu.wait_indirect_dma semaphore(%arg21 : memref<!tpu.dma_semaphore, #tpu.memory_space<semaphore_mem>>) src(%arg18 : memref<80x128xf32, #tpu.memory_space<vmem>>) dst(%dma_wait3A_189 : memref<10000x128xf32, #tpu.memory_space<vmem_shared>>)
        } else {
        }
        %add3A_179 = arith.constant 4 : i32
        %add3A_180 = arith.addi %add3A_147, %add3A_179 : i32
        %sub3A = arith.constant 1 : i32
        %sub3A_181 = arith.subi %add3A_180, %sub3A : i32
        %lt3A_182 = arith.constant 125 : i32
        %lt3A_183 = arith.cmpi slt, %sub3A_181, %lt3A_182 : i32
        %convert_element_type3A_184 = arith.extui %lt3A_183 : i1 to i32
        %cond3A_185 = arith.constant 0 : i32
        %cond3A_186 = arith.cmpi ne, %convert_element_type3A_184, %cond3A_185 : i32
        scf.if %cond3A_186 {
          %add3A_187 = arith.constant 4 : i32
          %add3A_188 = arith.addi %add3A_147, %add3A_187 : i32
          %sub3A_189 = arith.constant 1 : i32
          %sub3A_190 = arith.subi %add3A_188, %sub3A_189 : i32
          %mul3A_191 = arith.constant 10000 : i32
          %mul3A_192 = arith.muli %add3A, %mul3A_191 : i32
          %mul3A_193 = arith.constant 80 : i32
          %mul3A_194 = arith.muli %sub3A_190, %mul3A_193 : i32
          %add3A_195 = arith.addi %mul3A_192, %mul3A_194 : i32
          %multiple_of3A_196 = tpu.assume_multiple %add3A_195, 8 : i32
          %dma_start3A_197 = tpu.memref_slice %arg3[%multiple_of3A_196] : memref<320000xi32, #tpu.memory_space<hbm>> -> memref<80xi32, #tpu.memory_space<hbm>>
          %dma_start3A_198 = tpu.memref_slice %arg3[%multiple_of3A_196] : memref<320000xi32, #tpu.memory_space<hbm>> -> memref<80xi32, #tpu.memory_space<hbm>>
          tpu.enqueue_dma source(%dma_start3A_198 : memref<80xi32, #tpu.memory_space<hbm>>) target(%arg16 : memref<80xi32, #tpu.memory_space<vmem>>) target_semaphore(%arg19 : memref<!tpu.dma_semaphore, #tpu.memory_space<semaphore_mem>>)
          %dma_start3A_199 = tpu.memref_slice %arg4[%multiple_of3A_196] : memref<320000xi32, #tpu.memory_space<hbm>> -> memref<80xi32, #tpu.memory_space<hbm>>
          %dma_start3A_200 = tpu.memref_slice %arg4[%multiple_of3A_196] : memref<320000xi32, #tpu.memory_space<hbm>> -> memref<80xi32, #tpu.memory_space<hbm>>
          tpu.enqueue_dma source(%dma_start3A_200 : memref<80xi32, #tpu.memory_space<hbm>>) target(%arg17 : memref<80xi32, #tpu.memory_space<vmem>>) target_semaphore(%arg19 : memref<!tpu.dma_semaphore, #tpu.memory_space<semaphore_mem>>)
        } else {
        }
      } else {
      }
      %mul3A_153 = arith.constant 4 : i32
      %mul3A_154 = arith.muli %mul3A_153, %scan3A_125 : i32
      %add3A_155 = arith.constant 3 : i32
      %add3A_156 = arith.addi %mul3A_154, %add3A_155 : i32
      %lt3A_157 = arith.constant 125 : i32
      %lt3A_158 = arith.cmpi slt, %add3A_156, %lt3A_157 : i32
      %convert_element_type3A_159 = arith.extui %lt3A_158 : i1 to i32
      %cond3A_160 = arith.constant 0 : i32
      %cond3A_161 = arith.cmpi ne, %convert_element_type3A_159, %cond3A_160 : i32
      scf.if %cond3A_161 {
        %add3A_162 = arith.constant 2 : i32
        %add3A_163 = arith.addi %add3A_156, %add3A_162 : i32
        %lt3A_164 = arith.constant 125 : i32
        %lt3A_165 = arith.cmpi slt, %add3A_163, %lt3A_164 : i32
        %convert_element_type3A_166 = arith.extui %lt3A_165 : i1 to i32
        %cond3A_167 = arith.constant 0 : i32
        %cond3A_168 = arith.cmpi ne, %convert_element_type3A_166, %cond3A_167 : i32
        scf.if %cond3A_168 {
          %dma_wait3A_187 = arith.constant 0 : i32
          %dma_wait3A_188 = tpu.memref_slice %arg3[%dma_wait3A_187] : memref<320000xi32, #tpu.memory_space<hbm>> -> memref<80xi32, #tpu.memory_space<hbm>>
          %dma_wait3A_189 = arith.constant 0 : i32
          %dma_wait3A_190 = tpu.memref_slice %arg3[%dma_wait3A_189] : memref<320000xi32, #tpu.memory_space<hbm>> -> memref<80xi32, #tpu.memory_space<hbm>>
          tpu.wait_dma2 semaphore(%arg19 : memref<!tpu.dma_semaphore, #tpu.memory_space<semaphore_mem>>) src(%dma_wait3A_190 : memref<80xi32, #tpu.memory_space<hbm>>) dst(%arg16 : memref<80xi32, #tpu.memory_space<vmem>>)
          %dma_wait3A_191 = arith.constant 0 : i32
          %dma_wait3A_192 = tpu.memref_slice %arg4[%dma_wait3A_191] : memref<320000xi32, #tpu.memory_space<hbm>> -> memref<80xi32, #tpu.memory_space<hbm>>
          %dma_wait3A_193 = arith.constant 0 : i32
          %dma_wait3A_194 = tpu.memref_slice %arg4[%dma_wait3A_193] : memref<320000xi32, #tpu.memory_space<hbm>> -> memref<80xi32, #tpu.memory_space<hbm>>
          tpu.wait_dma2 semaphore(%arg19 : memref<!tpu.dma_semaphore, #tpu.memory_space<semaphore_mem>>) src(%dma_wait3A_194 : memref<80xi32, #tpu.memory_space<hbm>>) dst(%arg17 : memref<80xi32, #tpu.memory_space<vmem>>)
          %dma_start3A_195 = arith.constant 0 : i32
          %dma_start3A_196 = arith.constant 0 : i32
          %dma_start3A_197 = tpu.memref_slice %arg2[%dma_start3A_195, %dma_start3A_196] : memref<10000x128xf32, #tpu.memory_space<hbm>> -> memref<10000x128xf32, #tpu.memory_space<hbm>>
          tpu.enqueue_indirect_dma source(%dma_start3A_197 : memref<10000x128xf32, #tpu.memory_space<hbm>>) target(%arg18 : memref<80x128xf32, #tpu.memory_space<vmem>>) offsets(%arg16 : memref<80xi32, #tpu.memory_space<vmem>>) semaphore(%arg20 : memref<!tpu.dma_semaphore, #tpu.memory_space<semaphore_mem>>)
        } else {
        }
        %dma_wait3A_169 = arith.constant 0 : i32
        %dma_wait3A_170 = arith.constant 0 : i32
        %dma_wait3A_171 = tpu.memref_slice %arg2[%dma_wait3A_169, %dma_wait3A_170] : memref<10000x128xf32, #tpu.memory_space<hbm>> -> memref<10000x128xf32, #tpu.memory_space<hbm>>
        tpu.wait_indirect_dma semaphore(%arg32 : memref<!tpu.dma_semaphore, #tpu.memory_space<semaphore_mem>>) src(%dma_wait3A_171 : memref<10000x128xf32, #tpu.memory_space<hbm>>) dst(%arg30 : memref<80x128xf32, #tpu.memory_space<vmem>>)
        %dma_start3A_172 = arith.constant 0 : i32
        %dma_start3A_173 = arith.constant 0 : i32
        %dma_start3A_174 = tpu.memref_slice %arg9[%dma_start3A_172, %dma_start3A_173] : memref<10000x128xf32, #tpu.memory_space<vmem_shared>> -> memref<10000x128xf32, #tpu.memory_space<vmem_shared>>
        tpu.enqueue_indirect_dma source(%arg30 : memref<80x128xf32, #tpu.memory_space<vmem>>) target(%dma_start3A_174 : memref<10000x128xf32, #tpu.memory_space<vmem_shared>>) offsets(%arg29 : memref<80xi32, #tpu.memory_space<vmem>>) semaphore(%arg33 : memref<!tpu.dma_semaphore, #tpu.memory_space<semaphore_mem>>) {add = true}
        %ge3A = arith.constant 1 : i32
        %ge3A_175 = arith.cmpi sge, %add3A_156, %ge3A : i32
        %convert_element_type3A_176 = arith.extui %ge3A_175 : i1 to i32
        %cond3A_177 = arith.constant 0 : i32
        %cond3A_178 = arith.cmpi ne, %convert_element_type3A_176, %cond3A_177 : i32
        scf.if %cond3A_178 {
          %dma_wait3A_187 = arith.constant 0 : i32
          %dma_wait3A_188 = arith.constant 0 : i32
          %dma_wait3A_189 = tpu.memref_slice %arg9[%dma_wait3A_187, %dma_wait3A_188] : memref<10000x128xf32, #tpu.memory_space<vmem_shared>> -> memref<10000x128xf32, #tpu.memory_space<vmem_shared>>
          tpu.wait_indirect_dma semaphore(%arg27 : memref<!tpu.dma_semaphore, #tpu.memory_space<semaphore_mem>>) src(%arg24 : memref<80x128xf32, #tpu.memory_space<vmem>>) dst(%dma_wait3A_189 : memref<10000x128xf32, #tpu.memory_space<vmem_shared>>)
        } else {
        }
        %add3A_179 = arith.constant 4 : i32
        %add3A_180 = arith.addi %add3A_156, %add3A_179 : i32
        %sub3A = arith.constant 1 : i32
        %sub3A_181 = arith.subi %add3A_180, %sub3A : i32
        %lt3A_182 = arith.constant 125 : i32
        %lt3A_183 = arith.cmpi slt, %sub3A_181, %lt3A_182 : i32
        %convert_element_type3A_184 = arith.extui %lt3A_183 : i1 to i32
        %cond3A_185 = arith.constant 0 : i32
        %cond3A_186 = arith.cmpi ne, %convert_element_type3A_184, %cond3A_185 : i32
        scf.if %cond3A_186 {
          %add3A_187 = arith.constant 4 : i32
          %add3A_188 = arith.addi %add3A_156, %add3A_187 : i32
          %sub3A_189 = arith.constant 1 : i32
          %sub3A_190 = arith.subi %add3A_188, %sub3A_189 : i32
          %mul3A_191 = arith.constant 10000 : i32
          %mul3A_192 = arith.muli %add3A, %mul3A_191 : i32
          %mul3A_193 = arith.constant 80 : i32
          %mul3A_194 = arith.muli %sub3A_190, %mul3A_193 : i32
          %add3A_195 = arith.addi %mul3A_192, %mul3A_194 : i32
          %multiple_of3A_196 = tpu.assume_multiple %add3A_195, 8 : i32
          %dma_start3A_197 = tpu.memref_slice %arg3[%multiple_of3A_196] : memref<320000xi32, #tpu.memory_space<hbm>> -> memref<80xi32, #tpu.memory_space<hbm>>
          %dma_start3A_198 = tpu.memref_slice %arg3[%multiple_of3A_196] : memref<320000xi32, #tpu.memory_space<hbm>> -> memref<80xi32, #tpu.memory_space<hbm>>
          tpu.enqueue_dma source(%dma_start3A_198 : memref<80xi32, #tpu.memory_space<hbm>>) target(%arg22 : memref<80xi32, #tpu.memory_space<vmem>>) target_semaphore(%arg25 : memref<!tpu.dma_semaphore, #tpu.memory_space<semaphore_mem>>)
          %dma_start3A_199 = tpu.memref_slice %arg4[%multiple_of3A_196] : memref<320000xi32, #tpu.memory_space<hbm>> -> memref<80xi32, #tpu.memory_space<hbm>>
          %dma_start3A_200 = tpu.memref_slice %arg4[%multiple_of3A_196] : memref<320000xi32, #tpu.memory_space<hbm>> -> memref<80xi32, #tpu.memory_space<hbm>>
          tpu.enqueue_dma source(%dma_start3A_200 : memref<80xi32, #tpu.memory_space<hbm>>) target(%arg23 : memref<80xi32, #tpu.memory_space<vmem>>) target_semaphore(%arg25 : memref<!tpu.dma_semaphore, #tpu.memory_space<semaphore_mem>>)
        } else {
        }
      } else {
      }
    }
    %scan3A_114 = arith.constant 32 : i32
    %dma_wait3A_115 = arith.constant 0 : i32
    %dma_wait3A_116 = arith.constant 0 : i32
    %dma_wait3A_117 = tpu.memref_slice %arg9[%dma_wait3A_115, %dma_wait3A_116] : memref<10000x128xf32, #tpu.memory_space<vmem_shared>> -> memref<10000x128xf32, #tpu.memory_space<vmem_shared>>
    tpu.wait_indirect_dma semaphore(%arg15 : memref<!tpu.dma_semaphore, #tpu.memory_space<semaphore_mem>>) src(%arg12 : memref<80x128xf32, #tpu.memory_space<vmem>>) dst(%dma_wait3A_117 : memref<10000x128xf32, #tpu.memory_space<vmem_shared>>)
    %barrier3A_118 = arith.constant 0 : index
    tpu.barrier barrier_id(%barrier3A_118)
    %lt3A = arith.constant 15 : i32
    %lt3A_119 = arith.cmpi slt, %arg1, %lt3A : i32
    %convert_element_type3A = arith.extui %lt3A_119 : i1 to i32
    %cond3A = arith.constant 0 : i32
    %cond3A_120 = arith.cmpi ne, %convert_element_type3A, %cond3A : i32
    scf.if %cond3A_120 {
      "tpu.region"() ({
        %run_scoped3A = tpu.sem_alloc : memref<!tpu.dma_semaphore, #tpu.memory_space<semaphore_mem>>
        %dma_start3A_125 = arith.constant 0 : i32
        %dma_start3A_126 = tpu.memref_slice %arg8[%arg0, %multiple_of3A, %dma_start3A_125] : memref<2x10000x128xf32, #tpu.memory_space<hbm>> -> memref<1x640x128xf32, #tpu.memory_space<hbm>>
        %dma_start3A_127 = tpu.memref_squeeze %dma_start3A_126 : memref<1x640x128xf32, #tpu.memory_space<hbm>> -> memref<640x128xf32, #tpu.memory_space<hbm>>
        %dma_start3A_128 = arith.constant 0 : i32
        %dma_start3A_129 = tpu.memref_slice %arg9[%multiple_of3A, %dma_start3A_128] : memref<10000x128xf32, #tpu.memory_space<vmem_shared>> -> memref<640x128xf32, #tpu.memory_space<vmem_shared>>
        tpu.enqueue_dma source(%dma_start3A_129 : memref<640x128xf32, #tpu.memory_space<vmem_shared>>) target(%dma_start3A_127 : memref<640x128xf32, #tpu.memory_space<hbm>>) target_semaphore(%run_scoped3A : memref<!tpu.dma_semaphore, #tpu.memory_space<semaphore_mem>>)
        %dma_wait3A_130 = arith.constant 0 : i32
        %dma_wait3A_131 = tpu.memref_slice %arg8[%arg0, %multiple_of3A, %dma_wait3A_130] : memref<2x10000x128xf32, #tpu.memory_space<hbm>> -> memref<1x640x128xf32, #tpu.memory_space<hbm>>
        %dma_wait3A_132 = tpu.memref_squeeze %dma_wait3A_131 : memref<1x640x128xf32, #tpu.memory_space<hbm>> -> memref<640x128xf32, #tpu.memory_space<hbm>>
        %dma_wait3A_133 = arith.constant 0 : i32
        %dma_wait3A_134 = tpu.memref_slice %arg9[%multiple_of3A, %dma_wait3A_133] : memref<10000x128xf32, #tpu.memory_space<vmem_shared>> -> memref<640x128xf32, #tpu.memory_space<vmem_shared>>
        tpu.wait_dma2 semaphore(%run_scoped3A : memref<!tpu.dma_semaphore, #tpu.memory_space<semaphore_mem>>) src(%dma_wait3A_134 : memref<640x128xf32, #tpu.memory_space<vmem_shared>>) dst(%dma_wait3A_132 : memref<640x128xf32, #tpu.memory_space<hbm>>)
        tpu.yield
      }) : () -> ()
    } else {
    }
    %eq3A = arith.constant 15 : i32
    %eq3A_121 = arith.cmpi eq, %arg1, %eq3A : i32
    %convert_element_type3A_122 = arith.extui %eq3A_121 : i1 to i32
    %cond3A_123 = arith.constant 0 : i32
    %cond3A_124 = arith.cmpi ne, %convert_element_type3A_122, %cond3A_123 : i32
    scf.if %cond3A_124 {
      "tpu.region"() ({
        %run_scoped3A = tpu.sem_alloc : memref<!tpu.dma_semaphore, #tpu.memory_space<semaphore_mem>>
        %dma_start3A_125 = arith.constant 9600 : i32
        %dma_start3A_126 = arith.constant 0 : i32
        %dma_start3A_127 = tpu.memref_slice %arg8[%arg0, %dma_start3A_125, %dma_start3A_126] : memref<2x10000x128xf32, #tpu.memory_space<hbm>> -> memref<1x400x128xf32, #tpu.memory_space<hbm>>
        %dma_start3A_128 = tpu.memref_squeeze %dma_start3A_127 : memref<1x400x128xf32, #tpu.memory_space<hbm>> -> memref<400x128xf32, #tpu.memory_space<hbm>>
        %dma_start3A_129 = arith.constant 9600 : i32
        %dma_start3A_130 = arith.constant 0 : i32
        %dma_start3A_131 = tpu.memref_slice %arg9[%dma_start3A_129, %dma_start3A_130] : memref<10000x128xf32, #tpu.memory_space<vmem_shared>> -> memref<400x128xf32, #tpu.memory_space<vmem_shared>>
        tpu.enqueue_dma source(%dma_start3A_131 : memref<400x128xf32, #tpu.memory_space<vmem_shared>>) target(%dma_start3A_128 : memref<400x128xf32, #tpu.memory_space<hbm>>) target_semaphore(%run_scoped3A : memref<!tpu.dma_semaphore, #tpu.memory_space<semaphore_mem>>)
        %dma_wait3A_132 = arith.constant 9600 : i32
        %dma_wait3A_133 = arith.constant 0 : i32
        %dma_wait3A_134 = tpu.memref_slice %arg8[%arg0, %dma_wait3A_132, %dma_wait3A_133] : memref<2x10000x128xf32, #tpu.memory_space<hbm>> -> memref<1x400x128xf32, #tpu.memory_space<hbm>>
        %dma_wait3A_135 = tpu.memref_squeeze %dma_wait3A_134 : memref<1x400x128xf32, #tpu.memory_space<hbm>> -> memref<400x128xf32, #tpu.memory_space<hbm>>
        %dma_wait3A_136 = arith.constant 9600 : i32
        %dma_wait3A_137 = arith.constant 0 : i32
        %dma_wait3A_138 = tpu.memref_slice %arg9[%dma_wait3A_136, %dma_wait3A_137] : memref<10000x128xf32, #tpu.memory_space<vmem_shared>> -> memref<400x128xf32, #tpu.memory_space<vmem_shared>>
        tpu.wait_dma2 semaphore(%run_scoped3A : memref<!tpu.dma_semaphore, #tpu.memory_space<semaphore_mem>>) src(%dma_wait3A_138 : memref<400x128xf32, #tpu.memory_space<vmem_shared>>) dst(%dma_wait3A_135 : memref<400x128xf32, #tpu.memory_space<hbm>>)
        tpu.yield
      }) : () -> ()
    } else {
    }
    return
  }
}

#map = affine_map<(d0, d1) -> (0, 0)>
#map1 = affine_map<(d0, d1) -> (0)>
#map2 = affine_map<(d0, d1) -> (0, 0, 0)>
module attributes {stable_mosaic.version = 14 : i64} {
  func.func @k(%arg0: i32, %arg1: i32, %arg2: memref<10000x128xf32, #tpu.memory_space<hbm>>, %arg3: memref<320000xi32, #tpu.memory_space<hbm>>, %arg4: memref<320000xi32, #tpu.memory_space<hbm>>, %arg5: memref<125x128xf32, #tpu.memory_space<hbm>>, %arg6: memref<640xf32, #tpu.memory_space<hbm>>, %arg7: memref<80xf32, #tpu.memory_space<hbm>>, %arg8: memref<2x10000x128xf32, #tpu.memory_space<hbm>>, %arg9: memref<2x10240xf32, #tpu.memory_space<hbm>>, %arg10: memref<10000x128xf32, #tpu.memory_space<vmem_shared>>, %arg11: memref<80xi32, #tpu.memory_space<vmem>>, %arg12: memref<80xi32, #tpu.memory_space<vmem>>, %arg13: memref<80x128xf32, #tpu.memory_space<vmem>>, %arg14: memref<!tpu.dma_semaphore, #tpu.memory_space<semaphore_mem>>, %arg15: memref<!tpu.dma_semaphore, #tpu.memory_space<semaphore_mem>>, %arg16: memref<!tpu.dma_semaphore, #tpu.memory_space<semaphore_mem>>, %arg17: memref<80xi32, #tpu.memory_space<vmem>>, %arg18: memref<80xi32, #tpu.memory_space<vmem>>, %arg19: memref<80x128xf32, #tpu.memory_space<vmem>>, %arg20: memref<!tpu.dma_semaphore, #tpu.memory_space<semaphore_mem>>, %arg21: memref<!tpu.dma_semaphore, #tpu.memory_space<semaphore_mem>>, %arg22: memref<!tpu.dma_semaphore, #tpu.memory_space<semaphore_mem>>, %arg23: memref<80xi32, #tpu.memory_space<vmem>>, %arg24: memref<80xi32, #tpu.memory_space<vmem>>, %arg25: memref<80x128xf32, #tpu.memory_space<vmem>>, %arg26: memref<!tpu.dma_semaphore, #tpu.memory_space<semaphore_mem>>, %arg27: memref<!tpu.dma_semaphore, #tpu.memory_space<semaphore_mem>>, %arg28: memref<!tpu.dma_semaphore, #tpu.memory_space<semaphore_mem>>, %arg29: memref<80xi32, #tpu.memory_space<vmem>>, %arg30: memref<80xi32, #tpu.memory_space<vmem>>, %arg31: memref<80x128xf32, #tpu.memory_space<vmem>>, %arg32: memref<!tpu.dma_semaphore, #tpu.memory_space<semaphore_mem>>, %arg33: memref<!tpu.dma_semaphore, #tpu.memory_space<semaphore_mem>>, %arg34: memref<!tpu.dma_semaphore, #tpu.memory_space<semaphore_mem>>, %arg35: memref<10240xf32, #tpu.memory_space<vmem_shared>>, %arg36: memref<80xf32, #tpu.memory_space<vmem>>) attributes {dimension_semantics = [#tpu.dimension_semantics<core_parallel>, #tpu.dimension_semantics<subcore_parallel>], iteration_bounds = array<i64: 2, 16>, scalar_prefetch = 0 : i64, scratch_operands = 27 : i64, tpu.core_type = #tpu.core_type<sc_vector_subcore>, window_params = [{transform_indices = #map}, {transform_indices = #map1}, {transform_indices = #map1}, {transform_indices = #map}, {transform_indices = #map1}, {transform_indices = #map1}, {transform_indices = #map2}, {transform_indices = #map}]} {
    %mul3A = arith.constant 2 : i32
    %mul3A_0 = arith.muli %arg1, %mul3A : i32
    %add3A = arith.addi %mul3A_0, %arg0 : i32
    %mul3A_1 = arith.constant 640 : i32
    %mul3A_2 = arith.muli %arg1, %mul3A_1 : i32
    %multiple_of3A = tpu.assume_multiple %mul3A_2, 128 : i32
    tpu.enqueue_dma source(%arg7 : memref<80xf32, #tpu.memory_space<hbm>>) target(%arg36 : memref<80xf32, #tpu.memory_space<vmem>>) target_semaphore(%arg16 : memref<!tpu.dma_semaphore, #tpu.memory_space<semaphore_mem>>)
    %dma_start3A = tpu.memref_slice %arg35[%multiple_of3A] : memref<10240xf32, #tpu.memory_space<vmem_shared>> -> memref<640xf32, #tpu.memory_space<vmem_shared>>
    tpu.enqueue_dma source(%arg6 : memref<640xf32, #tpu.memory_space<hbm>>) target(%dma_start3A : memref<640xf32, #tpu.memory_space<vmem_shared>>) target_semaphore(%arg16 : memref<!tpu.dma_semaphore, #tpu.memory_space<semaphore_mem>>)
    %mul3A_3 = arith.constant 625 : i32
    %mul3A_4 = arith.muli %arg1, %mul3A_3 : i32
    %add3A_5 = arith.constant 0 : i32
    %add3A_6 = arith.addi %mul3A_4, %add3A_5 : i32
    %dma_start3A_7 = arith.constant 0 : i32
    %dma_start3A_8 = tpu.memref_slice %arg10[%add3A_6, %dma_start3A_7] : memref<10000x128xf32, #tpu.memory_space<vmem_shared>> -> memref<125x128xf32, #tpu.memory_space<vmem_shared>>
    tpu.enqueue_dma source(%arg5 : memref<125x128xf32, #tpu.memory_space<hbm>>) target(%dma_start3A_8 : memref<125x128xf32, #tpu.memory_space<vmem_shared>>) target_semaphore(%arg16 : memref<!tpu.dma_semaphore, #tpu.memory_space<semaphore_mem>>)
    %mul3A_9 = arith.constant 625 : i32
    %mul3A_10 = arith.muli %arg1, %mul3A_9 : i32
    %add3A_11 = arith.constant 125 : i32
    %add3A_12 = arith.addi %mul3A_10, %add3A_11 : i32
    %dma_start3A_13 = arith.constant 0 : i32
    %dma_start3A_14 = tpu.memref_slice %arg10[%add3A_12, %dma_start3A_13] : memref<10000x128xf32, #tpu.memory_space<vmem_shared>> -> memref<125x128xf32, #tpu.memory_space<vmem_shared>>
    tpu.enqueue_dma source(%arg5 : memref<125x128xf32, #tpu.memory_space<hbm>>) target(%dma_start3A_14 : memref<125x128xf32, #tpu.memory_space<vmem_shared>>) target_semaphore(%arg16 : memref<!tpu.dma_semaphore, #tpu.memory_space<semaphore_mem>>)
    %mul3A_15 = arith.constant 625 : i32
    %mul3A_16 = arith.muli %arg1, %mul3A_15 : i32
    %add3A_17 = arith.constant 250 : i32
    %add3A_18 = arith.addi %mul3A_16, %add3A_17 : i32
    %dma_start3A_19 = arith.constant 0 : i32
    %dma_start3A_20 = tpu.memref_slice %arg10[%add3A_18, %dma_start3A_19] : memref<10000x128xf32, #tpu.memory_space<vmem_shared>> -> memref<125x128xf32, #tpu.memory_space<vmem_shared>>
    tpu.enqueue_dma source(%arg5 : memref<125x128xf32, #tpu.memory_space<hbm>>) target(%dma_start3A_20 : memref<125x128xf32, #tpu.memory_space<vmem_shared>>) target_semaphore(%arg16 : memref<!tpu.dma_semaphore, #tpu.memory_space<semaphore_mem>>)
    %mul3A_21 = arith.constant 625 : i32
    %mul3A_22 = arith.muli %arg1, %mul3A_21 : i32
    %add3A_23 = arith.constant 375 : i32
    %add3A_24 = arith.addi %mul3A_22, %add3A_23 : i32
    %dma_start3A_25 = arith.constant 0 : i32
    %dma_start3A_26 = tpu.memref_slice %arg10[%add3A_24, %dma_start3A_25] : memref<10000x128xf32, #tpu.memory_space<vmem_shared>> -> memref<125x128xf32, #tpu.memory_space<vmem_shared>>
    tpu.enqueue_dma source(%arg5 : memref<125x128xf32, #tpu.memory_space<hbm>>) target(%dma_start3A_26 : memref<125x128xf32, #tpu.memory_space<vmem_shared>>) target_semaphore(%arg16 : memref<!tpu.dma_semaphore, #tpu.memory_space<semaphore_mem>>)
    %mul3A_27 = arith.constant 625 : i32
    %mul3A_28 = arith.muli %arg1, %mul3A_27 : i32
    %add3A_29 = arith.constant 500 : i32
    %add3A_30 = arith.addi %mul3A_28, %add3A_29 : i32
    %dma_start3A_31 = arith.constant 0 : i32
    %dma_start3A_32 = tpu.memref_slice %arg10[%add3A_30, %dma_start3A_31] : memref<10000x128xf32, #tpu.memory_space<vmem_shared>> -> memref<125x128xf32, #tpu.memory_space<vmem_shared>>
    tpu.enqueue_dma source(%arg5 : memref<125x128xf32, #tpu.memory_space<hbm>>) target(%dma_start3A_32 : memref<125x128xf32, #tpu.memory_space<vmem_shared>>) target_semaphore(%arg16 : memref<!tpu.dma_semaphore, #tpu.memory_space<semaphore_mem>>)
    %mul3A_33 = arith.constant 10000 : i32
    %mul3A_34 = arith.muli %add3A, %mul3A_33 : i32
    %add3A_35 = arith.constant 0 : i32
    %add3A_36 = arith.addi %mul3A_34, %add3A_35 : i32
    %multiple_of3A_37 = tpu.assume_multiple %add3A_36, 8 : i32
    %dma_start3A_38 = tpu.memref_slice %arg3[%multiple_of3A_37] : memref<320000xi32, #tpu.memory_space<hbm>> -> memref<80xi32, #tpu.memory_space<hbm>>
    %dma_start3A_39 = tpu.memref_slice %arg3[%multiple_of3A_37] : memref<320000xi32, #tpu.memory_space<hbm>> -> memref<80xi32, #tpu.memory_space<hbm>>
    tpu.enqueue_dma source(%dma_start3A_39 : memref<80xi32, #tpu.memory_space<hbm>>) target(%arg11 : memref<80xi32, #tpu.memory_space<vmem>>) target_semaphore(%arg14 : memref<!tpu.dma_semaphore, #tpu.memory_space<semaphore_mem>>)
    %dma_start3A_40 = tpu.memref_slice %arg4[%multiple_of3A_37] : memref<320000xi32, #tpu.memory_space<hbm>> -> memref<80xi32, #tpu.memory_space<hbm>>
    %dma_start3A_41 = tpu.memref_slice %arg4[%multiple_of3A_37] : memref<320000xi32, #tpu.memory_space<hbm>> -> memref<80xi32, #tpu.memory_space<hbm>>
    tpu.enqueue_dma source(%dma_start3A_41 : memref<80xi32, #tpu.memory_space<hbm>>) target(%arg12 : memref<80xi32, #tpu.memory_space<vmem>>) target_semaphore(%arg14 : memref<!tpu.dma_semaphore, #tpu.memory_space<semaphore_mem>>)
    %mul3A_42 = arith.constant 10000 : i32
    %mul3A_43 = arith.muli %add3A, %mul3A_42 : i32
    %add3A_44 = arith.constant 80 : i32
    %add3A_45 = arith.addi %mul3A_43, %add3A_44 : i32
    %multiple_of3A_46 = tpu.assume_multiple %add3A_45, 8 : i32
    %dma_start3A_47 = tpu.memref_slice %arg3[%multiple_of3A_46] : memref<320000xi32, #tpu.memory_space<hbm>> -> memref<80xi32, #tpu.memory_space<hbm>>
    %dma_start3A_48 = tpu.memref_slice %arg3[%multiple_of3A_46] : memref<320000xi32, #tpu.memory_space<hbm>> -> memref<80xi32, #tpu.memory_space<hbm>>
    tpu.enqueue_dma source(%dma_start3A_48 : memref<80xi32, #tpu.memory_space<hbm>>) target(%arg17 : memref<80xi32, #tpu.memory_space<vmem>>) target_semaphore(%arg20 : memref<!tpu.dma_semaphore, #tpu.memory_space<semaphore_mem>>)
    %dma_start3A_49 = tpu.memref_slice %arg4[%multiple_of3A_46] : memref<320000xi32, #tpu.memory_space<hbm>> -> memref<80xi32, #tpu.memory_space<hbm>>
    %dma_start3A_50 = tpu.memref_slice %arg4[%multiple_of3A_46] : memref<320000xi32, #tpu.memory_space<hbm>> -> memref<80xi32, #tpu.memory_space<hbm>>
    tpu.enqueue_dma source(%dma_start3A_50 : memref<80xi32, #tpu.memory_space<hbm>>) target(%arg18 : memref<80xi32, #tpu.memory_space<vmem>>) target_semaphore(%arg20 : memref<!tpu.dma_semaphore, #tpu.memory_space<semaphore_mem>>)
    %mul3A_51 = arith.constant 10000 : i32
    %mul3A_52 = arith.muli %add3A, %mul3A_51 : i32
    %add3A_53 = arith.constant 160 : i32
    %add3A_54 = arith.addi %mul3A_52, %add3A_53 : i32
    %multiple_of3A_55 = tpu.assume_multiple %add3A_54, 8 : i32
    %dma_start3A_56 = tpu.memref_slice %arg3[%multiple_of3A_55] : memref<320000xi32, #tpu.memory_space<hbm>> -> memref<80xi32, #tpu.memory_space<hbm>>
    %dma_start3A_57 = tpu.memref_slice %arg3[%multiple_of3A_55] : memref<320000xi32, #tpu.memory_space<hbm>> -> memref<80xi32, #tpu.memory_space<hbm>>
    tpu.enqueue_dma source(%dma_start3A_57 : memref<80xi32, #tpu.memory_space<hbm>>) target(%arg23 : memref<80xi32, #tpu.memory_space<vmem>>) target_semaphore(%arg26 : memref<!tpu.dma_semaphore, #tpu.memory_space<semaphore_mem>>)
    %dma_start3A_58 = tpu.memref_slice %arg4[%multiple_of3A_55] : memref<320000xi32, #tpu.memory_space<hbm>> -> memref<80xi32, #tpu.memory_space<hbm>>
    %dma_start3A_59 = tpu.memref_slice %arg4[%multiple_of3A_55] : memref<320000xi32, #tpu.memory_space<hbm>> -> memref<80xi32, #tpu.memory_space<hbm>>
    tpu.enqueue_dma source(%dma_start3A_59 : memref<80xi32, #tpu.memory_space<hbm>>) target(%arg24 : memref<80xi32, #tpu.memory_space<vmem>>) target_semaphore(%arg26 : memref<!tpu.dma_semaphore, #tpu.memory_space<semaphore_mem>>)
    %dma_wait3A = arith.constant 0 : i32
    %dma_wait3A_60 = tpu.memref_slice %arg3[%dma_wait3A] : memref<320000xi32, #tpu.memory_space<hbm>> -> memref<80xi32, #tpu.memory_space<hbm>>
    %dma_wait3A_61 = arith.constant 0 : i32
    %dma_wait3A_62 = tpu.memref_slice %arg3[%dma_wait3A_61] : memref<320000xi32, #tpu.memory_space<hbm>> -> memref<80xi32, #tpu.memory_space<hbm>>
    tpu.wait_dma2 semaphore(%arg14 : memref<!tpu.dma_semaphore, #tpu.memory_space<semaphore_mem>>) src(%dma_wait3A_62 : memref<80xi32, #tpu.memory_space<hbm>>) dst(%arg11 : memref<80xi32, #tpu.memory_space<vmem>>)
    %dma_wait3A_63 = arith.constant 0 : i32
    %dma_wait3A_64 = tpu.memref_slice %arg4[%dma_wait3A_63] : memref<320000xi32, #tpu.memory_space<hbm>> -> memref<80xi32, #tpu.memory_space<hbm>>
    %dma_wait3A_65 = arith.constant 0 : i32
    %dma_wait3A_66 = tpu.memref_slice %arg4[%dma_wait3A_65] : memref<320000xi32, #tpu.memory_space<hbm>> -> memref<80xi32, #tpu.memory_space<hbm>>
    tpu.wait_dma2 semaphore(%arg14 : memref<!tpu.dma_semaphore, #tpu.memory_space<semaphore_mem>>) src(%dma_wait3A_66 : memref<80xi32, #tpu.memory_space<hbm>>) dst(%arg12 : memref<80xi32, #tpu.memory_space<vmem>>)
    %dma_start3A_67 = arith.constant 0 : i32
    %dma_start3A_68 = arith.constant 0 : i32
    %dma_start3A_69 = tpu.memref_slice %arg2[%dma_start3A_67, %dma_start3A_68] : memref<10000x128xf32, #tpu.memory_space<hbm>> -> memref<10000x128xf32, #tpu.memory_space<hbm>>
    tpu.enqueue_indirect_dma source(%dma_start3A_69 : memref<10000x128xf32, #tpu.memory_space<hbm>>) target(%arg13 : memref<80x128xf32, #tpu.memory_space<vmem>>) offsets(%arg11 : memref<80xi32, #tpu.memory_space<vmem>>) semaphore(%arg15 : memref<!tpu.dma_semaphore, #tpu.memory_space<semaphore_mem>>)
    %dma_wait3A_70 = arith.constant 0 : i32
    %dma_wait3A_71 = tpu.memref_slice %arg3[%dma_wait3A_70] : memref<320000xi32, #tpu.memory_space<hbm>> -> memref<80xi32, #tpu.memory_space<hbm>>
    %dma_wait3A_72 = arith.constant 0 : i32
    %dma_wait3A_73 = tpu.memref_slice %arg3[%dma_wait3A_72] : memref<320000xi32, #tpu.memory_space<hbm>> -> memref<80xi32, #tpu.memory_space<hbm>>
    tpu.wait_dma2 semaphore(%arg20 : memref<!tpu.dma_semaphore, #tpu.memory_space<semaphore_mem>>) src(%dma_wait3A_73 : memref<80xi32, #tpu.memory_space<hbm>>) dst(%arg17 : memref<80xi32, #tpu.memory_space<vmem>>)
    %dma_wait3A_74 = arith.constant 0 : i32
    %dma_wait3A_75 = tpu.memref_slice %arg4[%dma_wait3A_74] : memref<320000xi32, #tpu.memory_space<hbm>> -> memref<80xi32, #tpu.memory_space<hbm>>
    %dma_wait3A_76 = arith.constant 0 : i32
    %dma_wait3A_77 = tpu.memref_slice %arg4[%dma_wait3A_76] : memref<320000xi32, #tpu.memory_space<hbm>> -> memref<80xi32, #tpu.memory_space<hbm>>
    tpu.wait_dma2 semaphore(%arg20 : memref<!tpu.dma_semaphore, #tpu.memory_space<semaphore_mem>>) src(%dma_wait3A_77 : memref<80xi32, #tpu.memory_space<hbm>>) dst(%arg18 : memref<80xi32, #tpu.memory_space<vmem>>)
    %dma_start3A_78 = arith.constant 0 : i32
    %dma_start3A_79 = arith.constant 0 : i32
    %dma_start3A_80 = tpu.memref_slice %arg2[%dma_start3A_78, %dma_start3A_79] : memref<10000x128xf32, #tpu.memory_space<hbm>> -> memref<10000x128xf32, #tpu.memory_space<hbm>>
    tpu.enqueue_indirect_dma source(%dma_start3A_80 : memref<10000x128xf32, #tpu.memory_space<hbm>>) target(%arg19 : memref<80x128xf32, #tpu.memory_space<vmem>>) offsets(%arg17 : memref<80xi32, #tpu.memory_space<vmem>>) semaphore(%arg21 : memref<!tpu.dma_semaphore, #tpu.memory_space<semaphore_mem>>)
    tpu.wait_dma2 semaphore(%arg16 : memref<!tpu.dma_semaphore, #tpu.memory_space<semaphore_mem>>) src(%arg7 : memref<80xf32, #tpu.memory_space<hbm>>) dst(%arg36 : memref<80xf32, #tpu.memory_space<vmem>>)
    %dma_wait3A_81 = tpu.memref_slice %arg35[%multiple_of3A] : memref<10240xf32, #tpu.memory_space<vmem_shared>> -> memref<640xf32, #tpu.memory_space<vmem_shared>>
    tpu.wait_dma2 semaphore(%arg16 : memref<!tpu.dma_semaphore, #tpu.memory_space<semaphore_mem>>) src(%arg6 : memref<640xf32, #tpu.memory_space<hbm>>) dst(%dma_wait3A_81 : memref<640xf32, #tpu.memory_space<vmem_shared>>)
    %mul3A_82 = arith.constant 625 : i32
    %mul3A_83 = arith.muli %arg1, %mul3A_82 : i32
    %add3A_84 = arith.constant 0 : i32
    %add3A_85 = arith.addi %mul3A_83, %add3A_84 : i32
    %dma_wait3A_86 = arith.constant 0 : i32
    %dma_wait3A_87 = tpu.memref_slice %arg10[%add3A_85, %dma_wait3A_86] : memref<10000x128xf32, #tpu.memory_space<vmem_shared>> -> memref<125x128xf32, #tpu.memory_space<vmem_shared>>
    tpu.wait_dma2 semaphore(%arg16 : memref<!tpu.dma_semaphore, #tpu.memory_space<semaphore_mem>>) src(%arg5 : memref<125x128xf32, #tpu.memory_space<hbm>>) dst(%dma_wait3A_87 : memref<125x128xf32, #tpu.memory_space<vmem_shared>>)
    %mul3A_88 = arith.constant 625 : i32
    %mul3A_89 = arith.muli %arg1, %mul3A_88 : i32
    %add3A_90 = arith.constant 125 : i32
    %add3A_91 = arith.addi %mul3A_89, %add3A_90 : i32
    %dma_wait3A_92 = arith.constant 0 : i32
    %dma_wait3A_93 = tpu.memref_slice %arg10[%add3A_91, %dma_wait3A_92] : memref<10000x128xf32, #tpu.memory_space<vmem_shared>> -> memref<125x128xf32, #tpu.memory_space<vmem_shared>>
    tpu.wait_dma2 semaphore(%arg16 : memref<!tpu.dma_semaphore, #tpu.memory_space<semaphore_mem>>) src(%arg5 : memref<125x128xf32, #tpu.memory_space<hbm>>) dst(%dma_wait3A_93 : memref<125x128xf32, #tpu.memory_space<vmem_shared>>)
    %mul3A_94 = arith.constant 625 : i32
    %mul3A_95 = arith.muli %arg1, %mul3A_94 : i32
    %add3A_96 = arith.constant 250 : i32
    %add3A_97 = arith.addi %mul3A_95, %add3A_96 : i32
    %dma_wait3A_98 = arith.constant 0 : i32
    %dma_wait3A_99 = tpu.memref_slice %arg10[%add3A_97, %dma_wait3A_98] : memref<10000x128xf32, #tpu.memory_space<vmem_shared>> -> memref<125x128xf32, #tpu.memory_space<vmem_shared>>
    tpu.wait_dma2 semaphore(%arg16 : memref<!tpu.dma_semaphore, #tpu.memory_space<semaphore_mem>>) src(%arg5 : memref<125x128xf32, #tpu.memory_space<hbm>>) dst(%dma_wait3A_99 : memref<125x128xf32, #tpu.memory_space<vmem_shared>>)
    %mul3A_100 = arith.constant 625 : i32
    %mul3A_101 = arith.muli %arg1, %mul3A_100 : i32
    %add3A_102 = arith.constant 375 : i32
    %add3A_103 = arith.addi %mul3A_101, %add3A_102 : i32
    %dma_wait3A_104 = arith.constant 0 : i32
    %dma_wait3A_105 = tpu.memref_slice %arg10[%add3A_103, %dma_wait3A_104] : memref<10000x128xf32, #tpu.memory_space<vmem_shared>> -> memref<125x128xf32, #tpu.memory_space<vmem_shared>>
    tpu.wait_dma2 semaphore(%arg16 : memref<!tpu.dma_semaphore, #tpu.memory_space<semaphore_mem>>) src(%arg5 : memref<125x128xf32, #tpu.memory_space<hbm>>) dst(%dma_wait3A_105 : memref<125x128xf32, #tpu.memory_space<vmem_shared>>)
    %mul3A_106 = arith.constant 625 : i32
    %mul3A_107 = arith.muli %arg1, %mul3A_106 : i32
    %add3A_108 = arith.constant 500 : i32
    %add3A_109 = arith.addi %mul3A_107, %add3A_108 : i32
    %dma_wait3A_110 = arith.constant 0 : i32
    %dma_wait3A_111 = tpu.memref_slice %arg10[%add3A_109, %dma_wait3A_110] : memref<10000x128xf32, #tpu.memory_space<vmem_shared>> -> memref<125x128xf32, #tpu.memory_space<vmem_shared>>
    tpu.wait_dma2 semaphore(%arg16 : memref<!tpu.dma_semaphore, #tpu.memory_space<semaphore_mem>>) src(%arg5 : memref<125x128xf32, #tpu.memory_space<hbm>>) dst(%dma_wait3A_111 : memref<125x128xf32, #tpu.memory_space<vmem_shared>>)
    %barrier3A = arith.constant 0 : index
    tpu.barrier barrier_id(%barrier3A)
    %scan3A = arith.constant 0 : i32
    %scan3A_112 = arith.constant 0 : i32
    %scan3A_113 = arith.constant 32 : i32
    %scan3A_114 = arith.addi %scan3A_112, %scan3A_113 : i32
    %scan3A_115 = arith.constant 1 : i32
    scf.for %scan3A_129 = %scan3A_112 to %scan3A_114 step %scan3A_115  : i32 {
      %mul3A_130 = arith.constant 4 : i32
      %mul3A_131 = arith.muli %mul3A_130, %scan3A_129 : i32
      %add3A_132 = arith.constant 0 : i32
      %add3A_133 = arith.addi %mul3A_131, %add3A_132 : i32
      %lt3A_134 = arith.constant 125 : i32
      %lt3A_135 = arith.cmpi slt, %add3A_133, %lt3A_134 : i32
      %convert_element_type3A_136 = arith.extui %lt3A_135 : i1 to i32
      %cond3A_137 = arith.constant 0 : i32
      %cond3A_138 = arith.cmpi ne, %convert_element_type3A_136, %cond3A_137 : i32
      scf.if %cond3A_138 {
        %add3A_166 = arith.constant 2 : i32
        %add3A_167 = arith.addi %add3A_133, %add3A_166 : i32
        %lt3A_168 = arith.constant 125 : i32
        %lt3A_169 = arith.cmpi slt, %add3A_167, %lt3A_168 : i32
        %convert_element_type3A_170 = arith.extui %lt3A_169 : i1 to i32
        %cond3A_171 = arith.constant 0 : i32
        %cond3A_172 = arith.cmpi ne, %convert_element_type3A_170, %cond3A_171 : i32
        scf.if %cond3A_172 {
          %dma_wait3A_193 = arith.constant 0 : i32
          %dma_wait3A_194 = tpu.memref_slice %arg3[%dma_wait3A_193] : memref<320000xi32, #tpu.memory_space<hbm>> -> memref<80xi32, #tpu.memory_space<hbm>>
          %dma_wait3A_195 = arith.constant 0 : i32
          %dma_wait3A_196 = tpu.memref_slice %arg3[%dma_wait3A_195] : memref<320000xi32, #tpu.memory_space<hbm>> -> memref<80xi32, #tpu.memory_space<hbm>>
          tpu.wait_dma2 semaphore(%arg26 : memref<!tpu.dma_semaphore, #tpu.memory_space<semaphore_mem>>) src(%dma_wait3A_196 : memref<80xi32, #tpu.memory_space<hbm>>) dst(%arg23 : memref<80xi32, #tpu.memory_space<vmem>>)
          %dma_wait3A_197 = arith.constant 0 : i32
          %dma_wait3A_198 = tpu.memref_slice %arg4[%dma_wait3A_197] : memref<320000xi32, #tpu.memory_space<hbm>> -> memref<80xi32, #tpu.memory_space<hbm>>
          %dma_wait3A_199 = arith.constant 0 : i32
          %dma_wait3A_200 = tpu.memref_slice %arg4[%dma_wait3A_199] : memref<320000xi32, #tpu.memory_space<hbm>> -> memref<80xi32, #tpu.memory_space<hbm>>
          tpu.wait_dma2 semaphore(%arg26 : memref<!tpu.dma_semaphore, #tpu.memory_space<semaphore_mem>>) src(%dma_wait3A_200 : memref<80xi32, #tpu.memory_space<hbm>>) dst(%arg24 : memref<80xi32, #tpu.memory_space<vmem>>)
          %dma_start3A_201 = arith.constant 0 : i32
          %dma_start3A_202 = arith.constant 0 : i32
          %dma_start3A_203 = tpu.memref_slice %arg2[%dma_start3A_201, %dma_start3A_202] : memref<10000x128xf32, #tpu.memory_space<hbm>> -> memref<10000x128xf32, #tpu.memory_space<hbm>>
          tpu.enqueue_indirect_dma source(%dma_start3A_203 : memref<10000x128xf32, #tpu.memory_space<hbm>>) target(%arg25 : memref<80x128xf32, #tpu.memory_space<vmem>>) offsets(%arg23 : memref<80xi32, #tpu.memory_space<vmem>>) semaphore(%arg27 : memref<!tpu.dma_semaphore, #tpu.memory_space<semaphore_mem>>)
        } else {
        }
        %dma_wait3A_173 = arith.constant 0 : i32
        %dma_wait3A_174 = arith.constant 0 : i32
        %dma_wait3A_175 = tpu.memref_slice %arg2[%dma_wait3A_173, %dma_wait3A_174] : memref<10000x128xf32, #tpu.memory_space<hbm>> -> memref<10000x128xf32, #tpu.memory_space<hbm>>
        tpu.wait_indirect_dma semaphore(%arg15 : memref<!tpu.dma_semaphore, #tpu.memory_space<semaphore_mem>>) src(%dma_wait3A_175 : memref<10000x128xf32, #tpu.memory_space<hbm>>) dst(%arg13 : memref<80x128xf32, #tpu.memory_space<vmem>>)
        %dma_start3A_176 = arith.constant 0 : i32
        %dma_start3A_177 = arith.constant 0 : i32
        %dma_start3A_178 = tpu.memref_slice %arg10[%dma_start3A_176, %dma_start3A_177] : memref<10000x128xf32, #tpu.memory_space<vmem_shared>> -> memref<10000x128xf32, #tpu.memory_space<vmem_shared>>
        tpu.enqueue_indirect_dma source(%arg13 : memref<80x128xf32, #tpu.memory_space<vmem>>) target(%dma_start3A_178 : memref<10000x128xf32, #tpu.memory_space<vmem_shared>>) offsets(%arg12 : memref<80xi32, #tpu.memory_space<vmem>>) semaphore(%arg16 : memref<!tpu.dma_semaphore, #tpu.memory_space<semaphore_mem>>) {add = true}
        %dma_start3A_179 = arith.constant 0 : i32
        %dma_start3A_180 = tpu.memref_slice %arg35[%dma_start3A_179] : memref<10240xf32, #tpu.memory_space<vmem_shared>> -> memref<10240xf32, #tpu.memory_space<vmem_shared>>
        tpu.enqueue_indirect_dma source(%arg36 : memref<80xf32, #tpu.memory_space<vmem>>) target(%dma_start3A_180 : memref<10240xf32, #tpu.memory_space<vmem_shared>>) offsets(%arg12 : memref<80xi32, #tpu.memory_space<vmem>>) semaphore(%arg16 : memref<!tpu.dma_semaphore, #tpu.memory_space<semaphore_mem>>) {add = true}
        %ge3A = arith.constant 1 : i32
        %ge3A_181 = arith.cmpi sge, %add3A_133, %ge3A : i32
        %convert_element_type3A_182 = arith.extui %ge3A_181 : i1 to i32
        %cond3A_183 = arith.constant 0 : i32
        %cond3A_184 = arith.cmpi ne, %convert_element_type3A_182, %cond3A_183 : i32
        scf.if %cond3A_184 {
          %dma_wait3A_193 = arith.constant 0 : i32
          %dma_wait3A_194 = arith.constant 0 : i32
          %dma_wait3A_195 = tpu.memref_slice %arg10[%dma_wait3A_193, %dma_wait3A_194] : memref<10000x128xf32, #tpu.memory_space<vmem_shared>> -> memref<10000x128xf32, #tpu.memory_space<vmem_shared>>
          tpu.wait_indirect_dma semaphore(%arg34 : memref<!tpu.dma_semaphore, #tpu.memory_space<semaphore_mem>>) src(%arg31 : memref<80x128xf32, #tpu.memory_space<vmem>>) dst(%dma_wait3A_195 : memref<10000x128xf32, #tpu.memory_space<vmem_shared>>)
          %dma_wait3A_196 = arith.constant 0 : i32
          %dma_wait3A_197 = tpu.memref_slice %arg35[%dma_wait3A_196] : memref<10240xf32, #tpu.memory_space<vmem_shared>> -> memref<10240xf32, #tpu.memory_space<vmem_shared>>
          tpu.wait_indirect_dma semaphore(%arg34 : memref<!tpu.dma_semaphore, #tpu.memory_space<semaphore_mem>>) src(%arg36 : memref<80xf32, #tpu.memory_space<vmem>>) dst(%dma_wait3A_197 : memref<10240xf32, #tpu.memory_space<vmem_shared>>)
        } else {
        }
        %add3A_185 = arith.constant 4 : i32
        %add3A_186 = arith.addi %add3A_133, %add3A_185 : i32
        %sub3A = arith.constant 1 : i32
        %sub3A_187 = arith.subi %add3A_186, %sub3A : i32
        %lt3A_188 = arith.constant 125 : i32
        %lt3A_189 = arith.cmpi slt, %sub3A_187, %lt3A_188 : i32
        %convert_element_type3A_190 = arith.extui %lt3A_189 : i1 to i32
        %cond3A_191 = arith.constant 0 : i32
        %cond3A_192 = arith.cmpi ne, %convert_element_type3A_190, %cond3A_191 : i32
        scf.if %cond3A_192 {
          %add3A_193 = arith.constant 4 : i32
          %add3A_194 = arith.addi %add3A_133, %add3A_193 : i32
          %sub3A_195 = arith.constant 1 : i32
          %sub3A_196 = arith.subi %add3A_194, %sub3A_195 : i32
          %mul3A_197 = arith.constant 10000 : i32
          %mul3A_198 = arith.muli %add3A, %mul3A_197 : i32
          %mul3A_199 = arith.constant 80 : i32
          %mul3A_200 = arith.muli %sub3A_196, %mul3A_199 : i32
          %add3A_201 = arith.addi %mul3A_198, %mul3A_200 : i32
          %multiple_of3A_202 = tpu.assume_multiple %add3A_201, 8 : i32
          %dma_start3A_203 = tpu.memref_slice %arg3[%multiple_of3A_202] : memref<320000xi32, #tpu.memory_space<hbm>> -> memref<80xi32, #tpu.memory_space<hbm>>
          %dma_start3A_204 = tpu.memref_slice %arg3[%multiple_of3A_202] : memref<320000xi32, #tpu.memory_space<hbm>> -> memref<80xi32, #tpu.memory_space<hbm>>
          tpu.enqueue_dma source(%dma_start3A_204 : memref<80xi32, #tpu.memory_space<hbm>>) target(%arg29 : memref<80xi32, #tpu.memory_space<vmem>>) target_semaphore(%arg32 : memref<!tpu.dma_semaphore, #tpu.memory_space<semaphore_mem>>)
          %dma_start3A_205 = tpu.memref_slice %arg4[%multiple_of3A_202] : memref<320000xi32, #tpu.memory_space<hbm>> -> memref<80xi32, #tpu.memory_space<hbm>>
          %dma_start3A_206 = tpu.memref_slice %arg4[%multiple_of3A_202] : memref<320000xi32, #tpu.memory_space<hbm>> -> memref<80xi32, #tpu.memory_space<hbm>>
          tpu.enqueue_dma source(%dma_start3A_206 : memref<80xi32, #tpu.memory_space<hbm>>) target(%arg30 : memref<80xi32, #tpu.memory_space<vmem>>) target_semaphore(%arg32 : memref<!tpu.dma_semaphore, #tpu.memory_space<semaphore_mem>>)
        } else {
        }
      } else {
      }
      %mul3A_139 = arith.constant 4 : i32
      %mul3A_140 = arith.muli %mul3A_139, %scan3A_129 : i32
      %add3A_141 = arith.constant 1 : i32
      %add3A_142 = arith.addi %mul3A_140, %add3A_141 : i32
      %lt3A_143 = arith.constant 125 : i32
      %lt3A_144 = arith.cmpi slt, %add3A_142, %lt3A_143 : i32
      %convert_element_type3A_145 = arith.extui %lt3A_144 : i1 to i32
      %cond3A_146 = arith.constant 0 : i32
      %cond3A_147 = arith.cmpi ne, %convert_element_type3A_145, %cond3A_146 : i32
      scf.if %cond3A_147 {
        %add3A_166 = arith.constant 2 : i32
        %add3A_167 = arith.addi %add3A_142, %add3A_166 : i32
        %lt3A_168 = arith.constant 125 : i32
        %lt3A_169 = arith.cmpi slt, %add3A_167, %lt3A_168 : i32
        %convert_element_type3A_170 = arith.extui %lt3A_169 : i1 to i32
        %cond3A_171 = arith.constant 0 : i32
        %cond3A_172 = arith.cmpi ne, %convert_element_type3A_170, %cond3A_171 : i32
        scf.if %cond3A_172 {
          %dma_wait3A_193 = arith.constant 0 : i32
          %dma_wait3A_194 = tpu.memref_slice %arg3[%dma_wait3A_193] : memref<320000xi32, #tpu.memory_space<hbm>> -> memref<80xi32, #tpu.memory_space<hbm>>
          %dma_wait3A_195 = arith.constant 0 : i32
          %dma_wait3A_196 = tpu.memref_slice %arg3[%dma_wait3A_195] : memref<320000xi32, #tpu.memory_space<hbm>> -> memref<80xi32, #tpu.memory_space<hbm>>
          tpu.wait_dma2 semaphore(%arg32 : memref<!tpu.dma_semaphore, #tpu.memory_space<semaphore_mem>>) src(%dma_wait3A_196 : memref<80xi32, #tpu.memory_space<hbm>>) dst(%arg29 : memref<80xi32, #tpu.memory_space<vmem>>)
          %dma_wait3A_197 = arith.constant 0 : i32
          %dma_wait3A_198 = tpu.memref_slice %arg4[%dma_wait3A_197] : memref<320000xi32, #tpu.memory_space<hbm>> -> memref<80xi32, #tpu.memory_space<hbm>>
          %dma_wait3A_199 = arith.constant 0 : i32
          %dma_wait3A_200 = tpu.memref_slice %arg4[%dma_wait3A_199] : memref<320000xi32, #tpu.memory_space<hbm>> -> memref<80xi32, #tpu.memory_space<hbm>>
          tpu.wait_dma2 semaphore(%arg32 : memref<!tpu.dma_semaphore, #tpu.memory_space<semaphore_mem>>) src(%dma_wait3A_200 : memref<80xi32, #tpu.memory_space<hbm>>) dst(%arg30 : memref<80xi32, #tpu.memory_space<vmem>>)
          %dma_start3A_201 = arith.constant 0 : i32
          %dma_start3A_202 = arith.constant 0 : i32
          %dma_start3A_203 = tpu.memref_slice %arg2[%dma_start3A_201, %dma_start3A_202] : memref<10000x128xf32, #tpu.memory_space<hbm>> -> memref<10000x128xf32, #tpu.memory_space<hbm>>
          tpu.enqueue_indirect_dma source(%dma_start3A_203 : memref<10000x128xf32, #tpu.memory_space<hbm>>) target(%arg31 : memref<80x128xf32, #tpu.memory_space<vmem>>) offsets(%arg29 : memref<80xi32, #tpu.memory_space<vmem>>) semaphore(%arg33 : memref<!tpu.dma_semaphore, #tpu.memory_space<semaphore_mem>>)
        } else {
        }
        %dma_wait3A_173 = arith.constant 0 : i32
        %dma_wait3A_174 = arith.constant 0 : i32
        %dma_wait3A_175 = tpu.memref_slice %arg2[%dma_wait3A_173, %dma_wait3A_174] : memref<10000x128xf32, #tpu.memory_space<hbm>> -> memref<10000x128xf32, #tpu.memory_space<hbm>>
        tpu.wait_indirect_dma semaphore(%arg21 : memref<!tpu.dma_semaphore, #tpu.memory_space<semaphore_mem>>) src(%dma_wait3A_175 : memref<10000x128xf32, #tpu.memory_space<hbm>>) dst(%arg19 : memref<80x128xf32, #tpu.memory_space<vmem>>)
        %dma_start3A_176 = arith.constant 0 : i32
        %dma_start3A_177 = arith.constant 0 : i32
        %dma_start3A_178 = tpu.memref_slice %arg10[%dma_start3A_176, %dma_start3A_177] : memref<10000x128xf32, #tpu.memory_space<vmem_shared>> -> memref<10000x128xf32, #tpu.memory_space<vmem_shared>>
        tpu.enqueue_indirect_dma source(%arg19 : memref<80x128xf32, #tpu.memory_space<vmem>>) target(%dma_start3A_178 : memref<10000x128xf32, #tpu.memory_space<vmem_shared>>) offsets(%arg18 : memref<80xi32, #tpu.memory_space<vmem>>) semaphore(%arg22 : memref<!tpu.dma_semaphore, #tpu.memory_space<semaphore_mem>>) {add = true}
        %dma_start3A_179 = arith.constant 0 : i32
        %dma_start3A_180 = tpu.memref_slice %arg35[%dma_start3A_179] : memref<10240xf32, #tpu.memory_space<vmem_shared>> -> memref<10240xf32, #tpu.memory_space<vmem_shared>>
        tpu.enqueue_indirect_dma source(%arg36 : memref<80xf32, #tpu.memory_space<vmem>>) target(%dma_start3A_180 : memref<10240xf32, #tpu.memory_space<vmem_shared>>) offsets(%arg18 : memref<80xi32, #tpu.memory_space<vmem>>) semaphore(%arg22 : memref<!tpu.dma_semaphore, #tpu.memory_space<semaphore_mem>>) {add = true}
        %ge3A = arith.constant 1 : i32
        %ge3A_181 = arith.cmpi sge, %add3A_142, %ge3A : i32
        %convert_element_type3A_182 = arith.extui %ge3A_181 : i1 to i32
        %cond3A_183 = arith.constant 0 : i32
        %cond3A_184 = arith.cmpi ne, %convert_element_type3A_182, %cond3A_183 : i32
        scf.if %cond3A_184 {
          %dma_wait3A_193 = arith.constant 0 : i32
          %dma_wait3A_194 = arith.constant 0 : i32
          %dma_wait3A_195 = tpu.memref_slice %arg10[%dma_wait3A_193, %dma_wait3A_194] : memref<10000x128xf32, #tpu.memory_space<vmem_shared>> -> memref<10000x128xf32, #tpu.memory_space<vmem_shared>>
          tpu.wait_indirect_dma semaphore(%arg16 : memref<!tpu.dma_semaphore, #tpu.memory_space<semaphore_mem>>) src(%arg13 : memref<80x128xf32, #tpu.memory_space<vmem>>) dst(%dma_wait3A_195 : memref<10000x128xf32, #tpu.memory_space<vmem_shared>>)
          %dma_wait3A_196 = arith.constant 0 : i32
          %dma_wait3A_197 = tpu.memref_slice %arg35[%dma_wait3A_196] : memref<10240xf32, #tpu.memory_space<vmem_shared>> -> memref<10240xf32, #tpu.memory_space<vmem_shared>>
          tpu.wait_indirect_dma semaphore(%arg16 : memref<!tpu.dma_semaphore, #tpu.memory_space<semaphore_mem>>) src(%arg36 : memref<80xf32, #tpu.memory_space<vmem>>) dst(%dma_wait3A_197 : memref<10240xf32, #tpu.memory_space<vmem_shared>>)
        } else {
        }
        %add3A_185 = arith.constant 4 : i32
        %add3A_186 = arith.addi %add3A_142, %add3A_185 : i32
        %sub3A = arith.constant 1 : i32
        %sub3A_187 = arith.subi %add3A_186, %sub3A : i32
        %lt3A_188 = arith.constant 125 : i32
        %lt3A_189 = arith.cmpi slt, %sub3A_187, %lt3A_188 : i32
        %convert_element_type3A_190 = arith.extui %lt3A_189 : i1 to i32
        %cond3A_191 = arith.constant 0 : i32
        %cond3A_192 = arith.cmpi ne, %convert_element_type3A_190, %cond3A_191 : i32
        scf.if %cond3A_192 {
          %add3A_193 = arith.constant 4 : i32
          %add3A_194 = arith.addi %add3A_142, %add3A_193 : i32
          %sub3A_195 = arith.constant 1 : i32
          %sub3A_196 = arith.subi %add3A_194, %sub3A_195 : i32
          %mul3A_197 = arith.constant 10000 : i32
          %mul3A_198 = arith.muli %add3A, %mul3A_197 : i32
          %mul3A_199 = arith.constant 80 : i32
          %mul3A_200 = arith.muli %sub3A_196, %mul3A_199 : i32
          %add3A_201 = arith.addi %mul3A_198, %mul3A_200 : i32
          %multiple_of3A_202 = tpu.assume_multiple %add3A_201, 8 : i32
          %dma_start3A_203 = tpu.memref_slice %arg3[%multiple_of3A_202] : memref<320000xi32, #tpu.memory_space<hbm>> -> memref<80xi32, #tpu.memory_space<hbm>>
          %dma_start3A_204 = tpu.memref_slice %arg3[%multiple_of3A_202] : memref<320000xi32, #tpu.memory_space<hbm>> -> memref<80xi32, #tpu.memory_space<hbm>>
          tpu.enqueue_dma source(%dma_start3A_204 : memref<80xi32, #tpu.memory_space<hbm>>) target(%arg11 : memref<80xi32, #tpu.memory_space<vmem>>) target_semaphore(%arg14 : memref<!tpu.dma_semaphore, #tpu.memory_space<semaphore_mem>>)
          %dma_start3A_205 = tpu.memref_slice %arg4[%multiple_of3A_202] : memref<320000xi32, #tpu.memory_space<hbm>> -> memref<80xi32, #tpu.memory_space<hbm>>
          %dma_start3A_206 = tpu.memref_slice %arg4[%multiple_of3A_202] : memref<320000xi32, #tpu.memory_space<hbm>> -> memref<80xi32, #tpu.memory_space<hbm>>
          tpu.enqueue_dma source(%dma_start3A_206 : memref<80xi32, #tpu.memory_space<hbm>>) target(%arg12 : memref<80xi32, #tpu.memory_space<vmem>>) target_semaphore(%arg14 : memref<!tpu.dma_semaphore, #tpu.memory_space<semaphore_mem>>)
        } else {
        }
      } else {
      }
      %mul3A_148 = arith.constant 4 : i32
      %mul3A_149 = arith.muli %mul3A_148, %scan3A_129 : i32
      %add3A_150 = arith.constant 2 : i32
      %add3A_151 = arith.addi %mul3A_149, %add3A_150 : i32
      %lt3A_152 = arith.constant 125 : i32
      %lt3A_153 = arith.cmpi slt, %add3A_151, %lt3A_152 : i32
      %convert_element_type3A_154 = arith.extui %lt3A_153 : i1 to i32
      %cond3A_155 = arith.constant 0 : i32
      %cond3A_156 = arith.cmpi ne, %convert_element_type3A_154, %cond3A_155 : i32
      scf.if %cond3A_156 {
        %add3A_166 = arith.constant 2 : i32
        %add3A_167 = arith.addi %add3A_151, %add3A_166 : i32
        %lt3A_168 = arith.constant 125 : i32
        %lt3A_169 = arith.cmpi slt, %add3A_167, %lt3A_168 : i32
        %convert_element_type3A_170 = arith.extui %lt3A_169 : i1 to i32
        %cond3A_171 = arith.constant 0 : i32
        %cond3A_172 = arith.cmpi ne, %convert_element_type3A_170, %cond3A_171 : i32
        scf.if %cond3A_172 {
          %dma_wait3A_193 = arith.constant 0 : i32
          %dma_wait3A_194 = tpu.memref_slice %arg3[%dma_wait3A_193] : memref<320000xi32, #tpu.memory_space<hbm>> -> memref<80xi32, #tpu.memory_space<hbm>>
          %dma_wait3A_195 = arith.constant 0 : i32
          %dma_wait3A_196 = tpu.memref_slice %arg3[%dma_wait3A_195] : memref<320000xi32, #tpu.memory_space<hbm>> -> memref<80xi32, #tpu.memory_space<hbm>>
          tpu.wait_dma2 semaphore(%arg14 : memref<!tpu.dma_semaphore, #tpu.memory_space<semaphore_mem>>) src(%dma_wait3A_196 : memref<80xi32, #tpu.memory_space<hbm>>) dst(%arg11 : memref<80xi32, #tpu.memory_space<vmem>>)
          %dma_wait3A_197 = arith.constant 0 : i32
          %dma_wait3A_198 = tpu.memref_slice %arg4[%dma_wait3A_197] : memref<320000xi32, #tpu.memory_space<hbm>> -> memref<80xi32, #tpu.memory_space<hbm>>
          %dma_wait3A_199 = arith.constant 0 : i32
          %dma_wait3A_200 = tpu.memref_slice %arg4[%dma_wait3A_199] : memref<320000xi32, #tpu.memory_space<hbm>> -> memref<80xi32, #tpu.memory_space<hbm>>
          tpu.wait_dma2 semaphore(%arg14 : memref<!tpu.dma_semaphore, #tpu.memory_space<semaphore_mem>>) src(%dma_wait3A_200 : memref<80xi32, #tpu.memory_space<hbm>>) dst(%arg12 : memref<80xi32, #tpu.memory_space<vmem>>)
          %dma_start3A_201 = arith.constant 0 : i32
          %dma_start3A_202 = arith.constant 0 : i32
          %dma_start3A_203 = tpu.memref_slice %arg2[%dma_start3A_201, %dma_start3A_202] : memref<10000x128xf32, #tpu.memory_space<hbm>> -> memref<10000x128xf32, #tpu.memory_space<hbm>>
          tpu.enqueue_indirect_dma source(%dma_start3A_203 : memref<10000x128xf32, #tpu.memory_space<hbm>>) target(%arg13 : memref<80x128xf32, #tpu.memory_space<vmem>>) offsets(%arg11 : memref<80xi32, #tpu.memory_space<vmem>>) semaphore(%arg15 : memref<!tpu.dma_semaphore, #tpu.memory_space<semaphore_mem>>)
        } else {
        }
        %dma_wait3A_173 = arith.constant 0 : i32
        %dma_wait3A_174 = arith.constant 0 : i32
        %dma_wait3A_175 = tpu.memref_slice %arg2[%dma_wait3A_173, %dma_wait3A_174] : memref<10000x128xf32, #tpu.memory_space<hbm>> -> memref<10000x128xf32, #tpu.memory_space<hbm>>
        tpu.wait_indirect_dma semaphore(%arg27 : memref<!tpu.dma_semaphore, #tpu.memory_space<semaphore_mem>>) src(%dma_wait3A_175 : memref<10000x128xf32, #tpu.memory_space<hbm>>) dst(%arg25 : memref<80x128xf32, #tpu.memory_space<vmem>>)
        %dma_start3A_176 = arith.constant 0 : i32
        %dma_start3A_177 = arith.constant 0 : i32
        %dma_start3A_178 = tpu.memref_slice %arg10[%dma_start3A_176, %dma_start3A_177] : memref<10000x128xf32, #tpu.memory_space<vmem_shared>> -> memref<10000x128xf32, #tpu.memory_space<vmem_shared>>
        tpu.enqueue_indirect_dma source(%arg25 : memref<80x128xf32, #tpu.memory_space<vmem>>) target(%dma_start3A_178 : memref<10000x128xf32, #tpu.memory_space<vmem_shared>>) offsets(%arg24 : memref<80xi32, #tpu.memory_space<vmem>>) semaphore(%arg28 : memref<!tpu.dma_semaphore, #tpu.memory_space<semaphore_mem>>) {add = true}
        %dma_start3A_179 = arith.constant 0 : i32
        %dma_start3A_180 = tpu.memref_slice %arg35[%dma_start3A_179] : memref<10240xf32, #tpu.memory_space<vmem_shared>> -> memref<10240xf32, #tpu.memory_space<vmem_shared>>
        tpu.enqueue_indirect_dma source(%arg36 : memref<80xf32, #tpu.memory_space<vmem>>) target(%dma_start3A_180 : memref<10240xf32, #tpu.memory_space<vmem_shared>>) offsets(%arg24 : memref<80xi32, #tpu.memory_space<vmem>>) semaphore(%arg28 : memref<!tpu.dma_semaphore, #tpu.memory_space<semaphore_mem>>) {add = true}
        %ge3A = arith.constant 1 : i32
        %ge3A_181 = arith.cmpi sge, %add3A_151, %ge3A : i32
        %convert_element_type3A_182 = arith.extui %ge3A_181 : i1 to i32
        %cond3A_183 = arith.constant 0 : i32
        %cond3A_184 = arith.cmpi ne, %convert_element_type3A_182, %cond3A_183 : i32
        scf.if %cond3A_184 {
          %dma_wait3A_193 = arith.constant 0 : i32
          %dma_wait3A_194 = arith.constant 0 : i32
          %dma_wait3A_195 = tpu.memref_slice %arg10[%dma_wait3A_193, %dma_wait3A_194] : memref<10000x128xf32, #tpu.memory_space<vmem_shared>> -> memref<10000x128xf32, #tpu.memory_space<vmem_shared>>
          tpu.wait_indirect_dma semaphore(%arg22 : memref<!tpu.dma_semaphore, #tpu.memory_space<semaphore_mem>>) src(%arg19 : memref<80x128xf32, #tpu.memory_space<vmem>>) dst(%dma_wait3A_195 : memref<10000x128xf32, #tpu.memory_space<vmem_shared>>)
          %dma_wait3A_196 = arith.constant 0 : i32
          %dma_wait3A_197 = tpu.memref_slice %arg35[%dma_wait3A_196] : memref<10240xf32, #tpu.memory_space<vmem_shared>> -> memref<10240xf32, #tpu.memory_space<vmem_shared>>
          tpu.wait_indirect_dma semaphore(%arg22 : memref<!tpu.dma_semaphore, #tpu.memory_space<semaphore_mem>>) src(%arg36 : memref<80xf32, #tpu.memory_space<vmem>>) dst(%dma_wait3A_197 : memref<10240xf32, #tpu.memory_space<vmem_shared>>)
        } else {
        }
        %add3A_185 = arith.constant 4 : i32
        %add3A_186 = arith.addi %add3A_151, %add3A_185 : i32
        %sub3A = arith.constant 1 : i32
        %sub3A_187 = arith.subi %add3A_186, %sub3A : i32
        %lt3A_188 = arith.constant 125 : i32
        %lt3A_189 = arith.cmpi slt, %sub3A_187, %lt3A_188 : i32
        %convert_element_type3A_190 = arith.extui %lt3A_189 : i1 to i32
        %cond3A_191 = arith.constant 0 : i32
        %cond3A_192 = arith.cmpi ne, %convert_element_type3A_190, %cond3A_191 : i32
        scf.if %cond3A_192 {
          %add3A_193 = arith.constant 4 : i32
          %add3A_194 = arith.addi %add3A_151, %add3A_193 : i32
          %sub3A_195 = arith.constant 1 : i32
          %sub3A_196 = arith.subi %add3A_194, %sub3A_195 : i32
          %mul3A_197 = arith.constant 10000 : i32
          %mul3A_198 = arith.muli %add3A, %mul3A_197 : i32
          %mul3A_199 = arith.constant 80 : i32
          %mul3A_200 = arith.muli %sub3A_196, %mul3A_199 : i32
          %add3A_201 = arith.addi %mul3A_198, %mul3A_200 : i32
          %multiple_of3A_202 = tpu.assume_multiple %add3A_201, 8 : i32
          %dma_start3A_203 = tpu.memref_slice %arg3[%multiple_of3A_202] : memref<320000xi32, #tpu.memory_space<hbm>> -> memref<80xi32, #tpu.memory_space<hbm>>
          %dma_start3A_204 = tpu.memref_slice %arg3[%multiple_of3A_202] : memref<320000xi32, #tpu.memory_space<hbm>> -> memref<80xi32, #tpu.memory_space<hbm>>
          tpu.enqueue_dma source(%dma_start3A_204 : memref<80xi32, #tpu.memory_space<hbm>>) target(%arg17 : memref<80xi32, #tpu.memory_space<vmem>>) target_semaphore(%arg20 : memref<!tpu.dma_semaphore, #tpu.memory_space<semaphore_mem>>)
          %dma_start3A_205 = tpu.memref_slice %arg4[%multiple_of3A_202] : memref<320000xi32, #tpu.memory_space<hbm>> -> memref<80xi32, #tpu.memory_space<hbm>>
          %dma_start3A_206 = tpu.memref_slice %arg4[%multiple_of3A_202] : memref<320000xi32, #tpu.memory_space<hbm>> -> memref<80xi32, #tpu.memory_space<hbm>>
          tpu.enqueue_dma source(%dma_start3A_206 : memref<80xi32, #tpu.memory_space<hbm>>) target(%arg18 : memref<80xi32, #tpu.memory_space<vmem>>) target_semaphore(%arg20 : memref<!tpu.dma_semaphore, #tpu.memory_space<semaphore_mem>>)
        } else {
        }
      } else {
      }
      %mul3A_157 = arith.constant 4 : i32
      %mul3A_158 = arith.muli %mul3A_157, %scan3A_129 : i32
      %add3A_159 = arith.constant 3 : i32
      %add3A_160 = arith.addi %mul3A_158, %add3A_159 : i32
      %lt3A_161 = arith.constant 125 : i32
      %lt3A_162 = arith.cmpi slt, %add3A_160, %lt3A_161 : i32
      %convert_element_type3A_163 = arith.extui %lt3A_162 : i1 to i32
      %cond3A_164 = arith.constant 0 : i32
      %cond3A_165 = arith.cmpi ne, %convert_element_type3A_163, %cond3A_164 : i32
      scf.if %cond3A_165 {
        %add3A_166 = arith.constant 2 : i32
        %add3A_167 = arith.addi %add3A_160, %add3A_166 : i32
        %lt3A_168 = arith.constant 125 : i32
        %lt3A_169 = arith.cmpi slt, %add3A_167, %lt3A_168 : i32
        %convert_element_type3A_170 = arith.extui %lt3A_169 : i1 to i32
        %cond3A_171 = arith.constant 0 : i32
        %cond3A_172 = arith.cmpi ne, %convert_element_type3A_170, %cond3A_171 : i32
        scf.if %cond3A_172 {
          %dma_wait3A_193 = arith.constant 0 : i32
          %dma_wait3A_194 = tpu.memref_slice %arg3[%dma_wait3A_193] : memref<320000xi32, #tpu.memory_space<hbm>> -> memref<80xi32, #tpu.memory_space<hbm>>
          %dma_wait3A_195 = arith.constant 0 : i32
          %dma_wait3A_196 = tpu.memref_slice %arg3[%dma_wait3A_195] : memref<320000xi32, #tpu.memory_space<hbm>> -> memref<80xi32, #tpu.memory_space<hbm>>
          tpu.wait_dma2 semaphore(%arg20 : memref<!tpu.dma_semaphore, #tpu.memory_space<semaphore_mem>>) src(%dma_wait3A_196 : memref<80xi32, #tpu.memory_space<hbm>>) dst(%arg17 : memref<80xi32, #tpu.memory_space<vmem>>)
          %dma_wait3A_197 = arith.constant 0 : i32
          %dma_wait3A_198 = tpu.memref_slice %arg4[%dma_wait3A_197] : memref<320000xi32, #tpu.memory_space<hbm>> -> memref<80xi32, #tpu.memory_space<hbm>>
          %dma_wait3A_199 = arith.constant 0 : i32
          %dma_wait3A_200 = tpu.memref_slice %arg4[%dma_wait3A_199] : memref<320000xi32, #tpu.memory_space<hbm>> -> memref<80xi32, #tpu.memory_space<hbm>>
          tpu.wait_dma2 semaphore(%arg20 : memref<!tpu.dma_semaphore, #tpu.memory_space<semaphore_mem>>) src(%dma_wait3A_200 : memref<80xi32, #tpu.memory_space<hbm>>) dst(%arg18 : memref<80xi32, #tpu.memory_space<vmem>>)
          %dma_start3A_201 = arith.constant 0 : i32
          %dma_start3A_202 = arith.constant 0 : i32
          %dma_start3A_203 = tpu.memref_slice %arg2[%dma_start3A_201, %dma_start3A_202] : memref<10000x128xf32, #tpu.memory_space<hbm>> -> memref<10000x128xf32, #tpu.memory_space<hbm>>
          tpu.enqueue_indirect_dma source(%dma_start3A_203 : memref<10000x128xf32, #tpu.memory_space<hbm>>) target(%arg19 : memref<80x128xf32, #tpu.memory_space<vmem>>) offsets(%arg17 : memref<80xi32, #tpu.memory_space<vmem>>) semaphore(%arg21 : memref<!tpu.dma_semaphore, #tpu.memory_space<semaphore_mem>>)
        } else {
        }
        %dma_wait3A_173 = arith.constant 0 : i32
        %dma_wait3A_174 = arith.constant 0 : i32
        %dma_wait3A_175 = tpu.memref_slice %arg2[%dma_wait3A_173, %dma_wait3A_174] : memref<10000x128xf32, #tpu.memory_space<hbm>> -> memref<10000x128xf32, #tpu.memory_space<hbm>>
        tpu.wait_indirect_dma semaphore(%arg33 : memref<!tpu.dma_semaphore, #tpu.memory_space<semaphore_mem>>) src(%dma_wait3A_175 : memref<10000x128xf32, #tpu.memory_space<hbm>>) dst(%arg31 : memref<80x128xf32, #tpu.memory_space<vmem>>)
        %dma_start3A_176 = arith.constant 0 : i32
        %dma_start3A_177 = arith.constant 0 : i32
        %dma_start3A_178 = tpu.memref_slice %arg10[%dma_start3A_176, %dma_start3A_177] : memref<10000x128xf32, #tpu.memory_space<vmem_shared>> -> memref<10000x128xf32, #tpu.memory_space<vmem_shared>>
        tpu.enqueue_indirect_dma source(%arg31 : memref<80x128xf32, #tpu.memory_space<vmem>>) target(%dma_start3A_178 : memref<10000x128xf32, #tpu.memory_space<vmem_shared>>) offsets(%arg30 : memref<80xi32, #tpu.memory_space<vmem>>) semaphore(%arg34 : memref<!tpu.dma_semaphore, #tpu.memory_space<semaphore_mem>>) {add = true}
        %dma_start3A_179 = arith.constant 0 : i32
        %dma_start3A_180 = tpu.memref_slice %arg35[%dma_start3A_179] : memref<10240xf32, #tpu.memory_space<vmem_shared>> -> memref<10240xf32, #tpu.memory_space<vmem_shared>>
        tpu.enqueue_indirect_dma source(%arg36 : memref<80xf32, #tpu.memory_space<vmem>>) target(%dma_start3A_180 : memref<10240xf32, #tpu.memory_space<vmem_shared>>) offsets(%arg30 : memref<80xi32, #tpu.memory_space<vmem>>) semaphore(%arg34 : memref<!tpu.dma_semaphore, #tpu.memory_space<semaphore_mem>>) {add = true}
        %ge3A = arith.constant 1 : i32
        %ge3A_181 = arith.cmpi sge, %add3A_160, %ge3A : i32
        %convert_element_type3A_182 = arith.extui %ge3A_181 : i1 to i32
        %cond3A_183 = arith.constant 0 : i32
        %cond3A_184 = arith.cmpi ne, %convert_element_type3A_182, %cond3A_183 : i32
        scf.if %cond3A_184 {
          %dma_wait3A_193 = arith.constant 0 : i32
          %dma_wait3A_194 = arith.constant 0 : i32
          %dma_wait3A_195 = tpu.memref_slice %arg10[%dma_wait3A_193, %dma_wait3A_194] : memref<10000x128xf32, #tpu.memory_space<vmem_shared>> -> memref<10000x128xf32, #tpu.memory_space<vmem_shared>>
          tpu.wait_indirect_dma semaphore(%arg28 : memref<!tpu.dma_semaphore, #tpu.memory_space<semaphore_mem>>) src(%arg25 : memref<80x128xf32, #tpu.memory_space<vmem>>) dst(%dma_wait3A_195 : memref<10000x128xf32, #tpu.memory_space<vmem_shared>>)
          %dma_wait3A_196 = arith.constant 0 : i32
          %dma_wait3A_197 = tpu.memref_slice %arg35[%dma_wait3A_196] : memref<10240xf32, #tpu.memory_space<vmem_shared>> -> memref<10240xf32, #tpu.memory_space<vmem_shared>>
          tpu.wait_indirect_dma semaphore(%arg28 : memref<!tpu.dma_semaphore, #tpu.memory_space<semaphore_mem>>) src(%arg36 : memref<80xf32, #tpu.memory_space<vmem>>) dst(%dma_wait3A_197 : memref<10240xf32, #tpu.memory_space<vmem_shared>>)
        } else {
        }
        %add3A_185 = arith.constant 4 : i32
        %add3A_186 = arith.addi %add3A_160, %add3A_185 : i32
        %sub3A = arith.constant 1 : i32
        %sub3A_187 = arith.subi %add3A_186, %sub3A : i32
        %lt3A_188 = arith.constant 125 : i32
        %lt3A_189 = arith.cmpi slt, %sub3A_187, %lt3A_188 : i32
        %convert_element_type3A_190 = arith.extui %lt3A_189 : i1 to i32
        %cond3A_191 = arith.constant 0 : i32
        %cond3A_192 = arith.cmpi ne, %convert_element_type3A_190, %cond3A_191 : i32
        scf.if %cond3A_192 {
          %add3A_193 = arith.constant 4 : i32
          %add3A_194 = arith.addi %add3A_160, %add3A_193 : i32
          %sub3A_195 = arith.constant 1 : i32
          %sub3A_196 = arith.subi %add3A_194, %sub3A_195 : i32
          %mul3A_197 = arith.constant 10000 : i32
          %mul3A_198 = arith.muli %add3A, %mul3A_197 : i32
          %mul3A_199 = arith.constant 80 : i32
          %mul3A_200 = arith.muli %sub3A_196, %mul3A_199 : i32
          %add3A_201 = arith.addi %mul3A_198, %mul3A_200 : i32
          %multiple_of3A_202 = tpu.assume_multiple %add3A_201, 8 : i32
          %dma_start3A_203 = tpu.memref_slice %arg3[%multiple_of3A_202] : memref<320000xi32, #tpu.memory_space<hbm>> -> memref<80xi32, #tpu.memory_space<hbm>>
          %dma_start3A_204 = tpu.memref_slice %arg3[%multiple_of3A_202] : memref<320000xi32, #tpu.memory_space<hbm>> -> memref<80xi32, #tpu.memory_space<hbm>>
          tpu.enqueue_dma source(%dma_start3A_204 : memref<80xi32, #tpu.memory_space<hbm>>) target(%arg23 : memref<80xi32, #tpu.memory_space<vmem>>) target_semaphore(%arg26 : memref<!tpu.dma_semaphore, #tpu.memory_space<semaphore_mem>>)
          %dma_start3A_205 = tpu.memref_slice %arg4[%multiple_of3A_202] : memref<320000xi32, #tpu.memory_space<hbm>> -> memref<80xi32, #tpu.memory_space<hbm>>
          %dma_start3A_206 = tpu.memref_slice %arg4[%multiple_of3A_202] : memref<320000xi32, #tpu.memory_space<hbm>> -> memref<80xi32, #tpu.memory_space<hbm>>
          tpu.enqueue_dma source(%dma_start3A_206 : memref<80xi32, #tpu.memory_space<hbm>>) target(%arg24 : memref<80xi32, #tpu.memory_space<vmem>>) target_semaphore(%arg26 : memref<!tpu.dma_semaphore, #tpu.memory_space<semaphore_mem>>)
        } else {
        }
      } else {
      }
    }
    %scan3A_116 = arith.constant 32 : i32
    %dma_wait3A_117 = arith.constant 0 : i32
    %dma_wait3A_118 = arith.constant 0 : i32
    %dma_wait3A_119 = tpu.memref_slice %arg10[%dma_wait3A_117, %dma_wait3A_118] : memref<10000x128xf32, #tpu.memory_space<vmem_shared>> -> memref<10000x128xf32, #tpu.memory_space<vmem_shared>>
    tpu.wait_indirect_dma semaphore(%arg16 : memref<!tpu.dma_semaphore, #tpu.memory_space<semaphore_mem>>) src(%arg13 : memref<80x128xf32, #tpu.memory_space<vmem>>) dst(%dma_wait3A_119 : memref<10000x128xf32, #tpu.memory_space<vmem_shared>>)
    %dma_wait3A_120 = arith.constant 0 : i32
    %dma_wait3A_121 = tpu.memref_slice %arg35[%dma_wait3A_120] : memref<10240xf32, #tpu.memory_space<vmem_shared>> -> memref<10240xf32, #tpu.memory_space<vmem_shared>>
    tpu.wait_indirect_dma semaphore(%arg16 : memref<!tpu.dma_semaphore, #tpu.memory_space<semaphore_mem>>) src(%arg36 : memref<80xf32, #tpu.memory_space<vmem>>) dst(%dma_wait3A_121 : memref<10240xf32, #tpu.memory_space<vmem_shared>>)
    %barrier3A_122 = arith.constant 0 : index
    tpu.barrier barrier_id(%barrier3A_122)
    "tpu.region"() ({
      %run_scoped3A = tpu.sem_alloc : memref<!tpu.dma_semaphore, #tpu.memory_space<semaphore_mem>>
      %dma_start3A_129 = tpu.memref_slice %arg9[%arg0, %multiple_of3A] : memref<2x10240xf32, #tpu.memory_space<hbm>> -> memref<1x640xf32, #tpu.memory_space<hbm>>
      %dma_start3A_130 = tpu.memref_squeeze %dma_start3A_129 : memref<1x640xf32, #tpu.memory_space<hbm>> -> memref<640xf32, #tpu.memory_space<hbm>>
      %dma_start3A_131 = tpu.memref_slice %arg35[%multiple_of3A] : memref<10240xf32, #tpu.memory_space<vmem_shared>> -> memref<640xf32, #tpu.memory_space<vmem_shared>>
      tpu.enqueue_dma source(%dma_start3A_131 : memref<640xf32, #tpu.memory_space<vmem_shared>>) target(%dma_start3A_130 : memref<640xf32, #tpu.memory_space<hbm>>) target_semaphore(%run_scoped3A : memref<!tpu.dma_semaphore, #tpu.memory_space<semaphore_mem>>)
      %dma_wait3A_132 = tpu.memref_slice %arg9[%arg0, %multiple_of3A] : memref<2x10240xf32, #tpu.memory_space<hbm>> -> memref<1x640xf32, #tpu.memory_space<hbm>>
      %dma_wait3A_133 = tpu.memref_squeeze %dma_wait3A_132 : memref<1x640xf32, #tpu.memory_space<hbm>> -> memref<640xf32, #tpu.memory_space<hbm>>
      %dma_wait3A_134 = tpu.memref_slice %arg35[%multiple_of3A] : memref<10240xf32, #tpu.memory_space<vmem_shared>> -> memref<640xf32, #tpu.memory_space<vmem_shared>>
      tpu.wait_dma2 semaphore(%run_scoped3A : memref<!tpu.dma_semaphore, #tpu.memory_space<semaphore_mem>>) src(%dma_wait3A_134 : memref<640xf32, #tpu.memory_space<vmem_shared>>) dst(%dma_wait3A_133 : memref<640xf32, #tpu.memory_space<hbm>>)
      tpu.yield
    }) : () -> ()
    %lt3A = arith.constant 15 : i32
    %lt3A_123 = arith.cmpi slt, %arg1, %lt3A : i32
    %convert_element_type3A = arith.extui %lt3A_123 : i1 to i32
    %cond3A = arith.constant 0 : i32
    %cond3A_124 = arith.cmpi ne, %convert_element_type3A, %cond3A : i32
    scf.if %cond3A_124 {
      "tpu.region"() ({
        %run_scoped3A = tpu.sem_alloc : memref<!tpu.dma_semaphore, #tpu.memory_space<semaphore_mem>>
        %dma_start3A_129 = arith.constant 0 : i32
        %dma_start3A_130 = tpu.memref_slice %arg8[%arg0, %multiple_of3A, %dma_start3A_129] : memref<2x10000x128xf32, #tpu.memory_space<hbm>> -> memref<1x640x128xf32, #tpu.memory_space<hbm>>
        %dma_start3A_131 = tpu.memref_squeeze %dma_start3A_130 : memref<1x640x128xf32, #tpu.memory_space<hbm>> -> memref<640x128xf32, #tpu.memory_space<hbm>>
        %dma_start3A_132 = arith.constant 0 : i32
        %dma_start3A_133 = tpu.memref_slice %arg10[%multiple_of3A, %dma_start3A_132] : memref<10000x128xf32, #tpu.memory_space<vmem_shared>> -> memref<640x128xf32, #tpu.memory_space<vmem_shared>>
        tpu.enqueue_dma source(%dma_start3A_133 : memref<640x128xf32, #tpu.memory_space<vmem_shared>>) target(%dma_start3A_131 : memref<640x128xf32, #tpu.memory_space<hbm>>) target_semaphore(%run_scoped3A : memref<!tpu.dma_semaphore, #tpu.memory_space<semaphore_mem>>)
        %dma_wait3A_134 = arith.constant 0 : i32
        %dma_wait3A_135 = tpu.memref_slice %arg8[%arg0, %multiple_of3A, %dma_wait3A_134] : memref<2x10000x128xf32, #tpu.memory_space<hbm>> -> memref<1x640x128xf32, #tpu.memory_space<hbm>>
        %dma_wait3A_136 = tpu.memref_squeeze %dma_wait3A_135 : memref<1x640x128xf32, #tpu.memory_space<hbm>> -> memref<640x128xf32, #tpu.memory_space<hbm>>
        %dma_wait3A_137 = arith.constant 0 : i32
        %dma_wait3A_138 = tpu.memref_slice %arg10[%multiple_of3A, %dma_wait3A_137] : memref<10000x128xf32, #tpu.memory_space<vmem_shared>> -> memref<640x128xf32, #tpu.memory_space<vmem_shared>>
        tpu.wait_dma2 semaphore(%run_scoped3A : memref<!tpu.dma_semaphore, #tpu.memory_space<semaphore_mem>>) src(%dma_wait3A_138 : memref<640x128xf32, #tpu.memory_space<vmem_shared>>) dst(%dma_wait3A_136 : memref<640x128xf32, #tpu.memory_space<hbm>>)
        tpu.yield
      }) : () -> ()
    } else {
    }
    %eq3A = arith.constant 15 : i32
    %eq3A_125 = arith.cmpi eq, %arg1, %eq3A : i32
    %convert_element_type3A_126 = arith.extui %eq3A_125 : i1 to i32
    %cond3A_127 = arith.constant 0 : i32
    %cond3A_128 = arith.cmpi ne, %convert_element_type3A_126, %cond3A_127 : i32
    scf.if %cond3A_128 {
      "tpu.region"() ({
        %run_scoped3A = tpu.sem_alloc : memref<!tpu.dma_semaphore, #tpu.memory_space<semaphore_mem>>
        %dma_start3A_129 = arith.constant 9600 : i32
        %dma_start3A_130 = arith.constant 0 : i32
        %dma_start3A_131 = tpu.memref_slice %arg8[%arg0, %dma_start3A_129, %dma_start3A_130] : memref<2x10000x128xf32, #tpu.memory_space<hbm>> -> memref<1x400x128xf32, #tpu.memory_space<hbm>>
        %dma_start3A_132 = tpu.memref_squeeze %dma_start3A_131 : memref<1x400x128xf32, #tpu.memory_space<hbm>> -> memref<400x128xf32, #tpu.memory_space<hbm>>
        %dma_start3A_133 = arith.constant 9600 : i32
        %dma_start3A_134 = arith.constant 0 : i32
        %dma_start3A_135 = tpu.memref_slice %arg10[%dma_start3A_133, %dma_start3A_134] : memref<10000x128xf32, #tpu.memory_space<vmem_shared>> -> memref<400x128xf32, #tpu.memory_space<vmem_shared>>
        tpu.enqueue_dma source(%dma_start3A_135 : memref<400x128xf32, #tpu.memory_space<vmem_shared>>) target(%dma_start3A_132 : memref<400x128xf32, #tpu.memory_space<hbm>>) target_semaphore(%run_scoped3A : memref<!tpu.dma_semaphore, #tpu.memory_space<semaphore_mem>>)
        %dma_wait3A_136 = arith.constant 9600 : i32
        %dma_wait3A_137 = arith.constant 0 : i32
        %dma_wait3A_138 = tpu.memref_slice %arg8[%arg0, %dma_wait3A_136, %dma_wait3A_137] : memref<2x10000x128xf32, #tpu.memory_space<hbm>> -> memref<1x400x128xf32, #tpu.memory_space<hbm>>
        %dma_wait3A_139 = tpu.memref_squeeze %dma_wait3A_138 : memref<1x400x128xf32, #tpu.memory_space<hbm>> -> memref<400x128xf32, #tpu.memory_space<hbm>>
        %dma_wait3A_140 = arith.constant 9600 : i32
        %dma_wait3A_141 = arith.constant 0 : i32
        %dma_wait3A_142 = tpu.memref_slice %arg10[%dma_wait3A_140, %dma_wait3A_141] : memref<10000x128xf32, #tpu.memory_space<vmem_shared>> -> memref<400x128xf32, #tpu.memory_space<vmem_shared>>
        tpu.wait_dma2 semaphore(%run_scoped3A : memref<!tpu.dma_semaphore, #tpu.memory_space<semaphore_mem>>) src(%dma_wait3A_142 : memref<400x128xf32, #tpu.memory_space<vmem_shared>>) dst(%dma_wait3A_139 : memref<400x128xf32, #tpu.memory_space<hbm>>)
        tpu.yield
      }) : () -> ()
    } else {
    }
    return
  }
}

module attributes {stable_mosaic.version = 14 : i64} {
  func.func @_tc_self_body(%arg0: i32, %arg1: memref<10000x128xf32, #tpu.memory_space<vmem>>, %arg2: memref<128x128xf32, #tpu.memory_space<vmem>>, %arg3: memref<1x128xf32, #tpu.memory_space<vmem>>, %arg4: memref<10000x128xf32, #tpu.memory_space<vmem>>) attributes {dimension_semantics = [#tpu.dimension_semantics<arbitrary>], iteration_bounds = array<i64: 1>, scalar_prefetch = 0 : i64, scratch_operands = 0 : i64, tpu.core_type = #tpu.core_type<tc>, window_params = [{transform_indices = @transform_0, window_bounds = array<i64: 10000, 128>}, {pipeline_mode = #tpu.pipeline_mode<synchronous>, transform_indices = @transform_1, window_bounds = array<i64: 128, 128>}, {pipeline_mode = #tpu.pipeline_mode<synchronous>, transform_indices = @transform_2, window_bounds = array<i64: 1, 128>}, {transform_indices = @transform_3, window_bounds = array<i64: 10000, 128>}]} {
    %get3A = arith.constant 0 : index
    %get3A_0 = arith.constant 0 : index
    %get3A_1 = vector.load %arg1[%get3A, %get3A_0] : memref<10000x128xf32, #tpu.memory_space<vmem>>, vector<10000x128xf32>
    %get3A_2 = arith.constant 0 : index
    %get3A_3 = arith.constant 0 : index
    %get3A_4 = vector.load %arg2[%get3A_2, %get3A_3] : memref<128x128xf32, #tpu.memory_space<vmem>>, vector<128x128xf32>
    %dot_general3A = arith.constant dense<0.000000e+00> : vector<10000x128xf32>
    %dot_general3A_5 = tpu.matmul %get3A_1, %get3A_4, %dot_general3A {dimension_numbers = #tpu.dot_dimension_numbers<[1], [0], [0], [1], [0, 0, 1, 1], [], []>, transpose_lhs_hint = false} : vector<10000x128xf32>, vector<128x128xf32>, vector<10000x128xf32> -> vector<10000x128xf32>
    %get3A_6 = arith.constant 0 : index
    %get3A_7 = arith.constant 0 : index
    %get3A_8 = vector.load %arg3[%get3A_6, %get3A_7] : memref<1x128xf32, #tpu.memory_space<vmem>>, vector<1x128xf32>
    %add3A = vector.broadcast %get3A_8 : vector<1x128xf32> to vector<10000x128xf32>
    %add3A_9 = arith.addf %dot_general3A_5, %add3A : vector<10000x128xf32>
    %swap3A = arith.constant 0 : index
    %swap3A_10 = arith.constant 0 : index
    %swap3A_11 = vector.load %arg4[%swap3A, %swap3A_10] : memref<10000x128xf32, #tpu.memory_space<vmem>>, vector<10000x128xf32>
    tpu.vector_store %arg4[%swap3A, %swap3A_10], %add3A_9 {strides = array<i32>} : memref<10000x128xf32, #tpu.memory_space<vmem>>, vector<10000x128xf32>,
    return
  }
  func.func @transform_0(%arg0: i32) -> (i32, i32) {
    %c0_i32 = arith.constant 0 : i32
    %c0_i32_0 = arith.constant 0 : i32
    return %arg0, %c0_i32 : i32, i32
  }
  func.func @transform_1(%arg0: i32) -> (i32, i32) {
    %c0_i32 = arith.constant 0 : i32
    %c0_i32_0 = arith.constant 0 : i32
    %c0_i32_1 = arith.constant 0 : i32
    return %c0_i32, %c0_i32_0 : i32, i32
  }
  func.func @transform_2(%arg0: i32) -> (i32, i32) {
    %c0_i32 = arith.constant 0 : i32
    %c0_i32_0 = arith.constant 0 : i32
    %c0_i32_1 = arith.constant 0 : i32
    return %c0_i32, %c0_i32_0 : i32, i32
  }
  func.func @transform_3(%arg0: i32) -> (i32, i32) {
    %c0_i32 = arith.constant 0 : i32
    %c0_i32_0 = arith.constant 0 : i32
    return %arg0, %c0_i32 : i32, i32
  }
}

module attributes {stable_mosaic.version = 14 : i64} {
  func.func @_tc_combine_body(%arg0: i32, %arg1: memref<2x10000x128xf32, #tpu.memory_space<vmem>>, %arg2: memref<10000x1xf32, #tpu.memory_space<vmem>>, %arg3: memref<10000x128xf32, #tpu.memory_space<vmem>>, %arg4: memref<128x128xf32, #tpu.memory_space<vmem>>, %arg5: memref<10000x128xf32, #tpu.memory_space<vmem>>) attributes {dimension_semantics = [#tpu.dimension_semantics<arbitrary>], iteration_bounds = array<i64: 1>, scalar_prefetch = 0 : i64, scratch_operands = 0 : i64, tpu.core_type = #tpu.core_type<tc>, window_params = [{transform_indices = @transform_0, window_bounds = array<i64: 2, 10000, 128>}, {transform_indices = @transform_1, window_bounds = array<i64: 10000, 1>}, {transform_indices = @transform_2, window_bounds = array<i64: 10000, 128>}, {pipeline_mode = #tpu.pipeline_mode<synchronous>, transform_indices = @transform_3, window_bounds = array<i64: 128, 128>}, {transform_indices = @transform_4, window_bounds = array<i64: 10000, 128>}]} {
    %get3A = arith.constant 0 : index
    %get3A_0 = arith.constant 0 : index
    %get3A_1 = arith.constant 0 : index
    %get3A_2 = vector.load %arg1[%get3A, %get3A_0, %get3A_1] : memref<2x10000x128xf32, #tpu.memory_space<vmem>>, vector<1x10000x128xf32>
    %get3A_3 = vector.shape_cast %get3A_2 : vector<1x10000x128xf32> to vector<10000x128xf32>
    %get3A_4 = arith.constant 1 : index
    %get3A_5 = arith.constant 0 : index
    %get3A_6 = arith.constant 0 : index
    %get3A_7 = vector.load %arg1[%get3A_4, %get3A_5, %get3A_6] : memref<2x10000x128xf32, #tpu.memory_space<vmem>>, vector<1x10000x128xf32>
    %get3A_8 = vector.shape_cast %get3A_7 : vector<1x10000x128xf32> to vector<10000x128xf32>
    %add3A = arith.addf %get3A_3, %get3A_8 : vector<10000x128xf32>
    %get3A_9 = arith.constant 0 : index
    %get3A_10 = arith.constant 0 : index
    %get3A_11 = vector.load %arg2[%get3A_9, %get3A_10] : memref<10000x1xf32, #tpu.memory_space<vmem>>, vector<10000x1xf32>
    %max3A = arith.constant 1.000000e+00 : f32
    %max3A_12 = vector.broadcast %max3A : f32 to vector<10000x1xf32>
    %max3A_13 = arith.maximumf %get3A_11, %max3A_12 : vector<10000x1xf32>
    %div3A = vector.broadcast %max3A_13 : vector<10000x1xf32> to vector<10000x128xf32>
    %div3A_14 = arith.divf %add3A, %div3A : vector<10000x128xf32>
    %get3A_15 = arith.constant 0 : index
    %get3A_16 = arith.constant 0 : index
    %get3A_17 = vector.load %arg4[%get3A_15, %get3A_16] : memref<128x128xf32, #tpu.memory_space<vmem>>, vector<128x128xf32>
    %dot_general3A = arith.constant dense<0.000000e+00> : vector<10000x128xf32>
    %dot_general3A_18 = tpu.matmul %div3A_14, %get3A_17, %dot_general3A {dimension_numbers = #tpu.dot_dimension_numbers<[1], [0], [0], [1], [0, 0, 1, 1], [], []>, transpose_lhs_hint = false} : vector<10000x128xf32>, vector<128x128xf32>, vector<10000x128xf32> -> vector<10000x128xf32>
    %get3A_19 = arith.constant 0 : index
    %get3A_20 = arith.constant 0 : index
    %get3A_21 = vector.load %arg3[%get3A_19, %get3A_20] : memref<10000x128xf32, #tpu.memory_space<vmem>>, vector<10000x128xf32>
    %add3A_22 = arith.addf %dot_general3A_18, %get3A_21 : vector<10000x128xf32>
    %max3A_23 = arith.constant 0.000000e+00 : f32
    %max3A_24 = vector.broadcast %max3A_23 : f32 to vector<10000x128xf32>
    %max3A_25 = arith.maximumf %add3A_22, %max3A_24 : vector<10000x128xf32>
    %swap3A = arith.constant 0 : index
    %swap3A_26 = arith.constant 0 : index
    %swap3A_27 = vector.load %arg5[%swap3A, %swap3A_26] : memref<10000x128xf32, #tpu.memory_space<vmem>>, vector<10000x128xf32>
    tpu.vector_store %arg5[%swap3A, %swap3A_26], %max3A_25 {strides = array<i32>} : memref<10000x128xf32, #tpu.memory_space<vmem>>, vector<10000x128xf32>,
    return
  }
  func.func @transform_0(%arg0: i32) -> (i32, i32, i32) {
    %c0_i32 = arith.constant 0 : i32
    %c0_i32_0 = arith.constant 0 : i32
    %c0_i32_1 = arith.constant 0 : i32
    return %c0_i32, %arg0, %c0_i32_0 : i32, i32, i32
  }
  func.func @transform_1(%arg0: i32) -> (i32, i32) {
    %c0_i32 = arith.constant 0 : i32
    %c0_i32_0 = arith.constant 0 : i32
    return %arg0, %c0_i32 : i32, i32
  }
  func.func @transform_2(%arg0: i32) -> (i32, i32) {
    %c0_i32 = arith.constant 0 : i32
    %c0_i32_0 = arith.constant 0 : i32
    return %arg0, %c0_i32 : i32, i32
  }
  func.func @transform_3(%arg0: i32) -> (i32, i32) {
    %c0_i32 = arith.constant 0 : i32
    %c0_i32_0 = arith.constant 0 : i32
    %c0_i32_1 = arith.constant 0 : i32
    return %c0_i32, %c0_i32_0 : i32, i32
  }
  func.func @transform_4(%arg0: i32) -> (i32, i32) {
    %c0_i32 = arith.constant 0 : i32
    %c0_i32_0 = arith.constant 0 : i32
    return %arg0, %c0_i32 : i32, i32
  }
}

module attributes {stable_mosaic.version = 14 : i64} {
  func.func @_tc_combine_body(%arg0: i32, %arg1: memref<2x10000x128xf32, #tpu.memory_space<vmem>>, %arg2: memref<10000x1xf32, #tpu.memory_space<vmem>>, %arg3: memref<10000x128xf32, #tpu.memory_space<vmem>>, %arg4: memref<128x128xf32, #tpu.memory_space<vmem>>, %arg5: memref<10000x128xf32, #tpu.memory_space<vmem>>) attributes {dimension_semantics = [#tpu.dimension_semantics<arbitrary>], iteration_bounds = array<i64: 1>, scalar_prefetch = 0 : i64, scratch_operands = 0 : i64, tpu.core_type = #tpu.core_type<tc>, window_params = [{transform_indices = @transform_0, window_bounds = array<i64: 2, 10000, 128>}, {transform_indices = @transform_1, window_bounds = array<i64: 10000, 1>}, {transform_indices = @transform_2, window_bounds = array<i64: 10000, 128>}, {pipeline_mode = #tpu.pipeline_mode<synchronous>, transform_indices = @transform_3, window_bounds = array<i64: 128, 128>}, {transform_indices = @transform_4, window_bounds = array<i64: 10000, 128>}]} {
    %get3A = arith.constant 0 : index
    %get3A_0 = arith.constant 0 : index
    %get3A_1 = arith.constant 0 : index
    %get3A_2 = vector.load %arg1[%get3A, %get3A_0, %get3A_1] : memref<2x10000x128xf32, #tpu.memory_space<vmem>>, vector<1x10000x128xf32>
    %get3A_3 = vector.shape_cast %get3A_2 : vector<1x10000x128xf32> to vector<10000x128xf32>
    %get3A_4 = arith.constant 1 : index
    %get3A_5 = arith.constant 0 : index
    %get3A_6 = arith.constant 0 : index
    %get3A_7 = vector.load %arg1[%get3A_4, %get3A_5, %get3A_6] : memref<2x10000x128xf32, #tpu.memory_space<vmem>>, vector<1x10000x128xf32>
    %get3A_8 = vector.shape_cast %get3A_7 : vector<1x10000x128xf32> to vector<10000x128xf32>
    %add3A = arith.addf %get3A_3, %get3A_8 : vector<10000x128xf32>
    %get3A_9 = arith.constant 0 : index
    %get3A_10 = arith.constant 0 : index
    %get3A_11 = vector.load %arg2[%get3A_9, %get3A_10] : memref<10000x1xf32, #tpu.memory_space<vmem>>, vector<10000x1xf32>
    %max3A = arith.constant 1.000000e+00 : f32
    %max3A_12 = vector.broadcast %max3A : f32 to vector<10000x1xf32>
    %max3A_13 = arith.maximumf %get3A_11, %max3A_12 : vector<10000x1xf32>
    %div3A = vector.broadcast %max3A_13 : vector<10000x1xf32> to vector<10000x128xf32>
    %div3A_14 = arith.divf %add3A, %div3A : vector<10000x128xf32>
    %get3A_15 = arith.constant 0 : index
    %get3A_16 = arith.constant 0 : index
    %get3A_17 = vector.load %arg4[%get3A_15, %get3A_16] : memref<128x128xf32, #tpu.memory_space<vmem>>, vector<128x128xf32>
    %dot_general3A = arith.constant dense<0.000000e+00> : vector<10000x128xf32>
    %dot_general3A_18 = tpu.matmul %div3A_14, %get3A_17, %dot_general3A {dimension_numbers = #tpu.dot_dimension_numbers<[1], [0], [0], [1], [0, 0, 1, 1], [], []>, transpose_lhs_hint = false} : vector<10000x128xf32>, vector<128x128xf32>, vector<10000x128xf32> -> vector<10000x128xf32>
    %get3A_19 = arith.constant 0 : index
    %get3A_20 = arith.constant 0 : index
    %get3A_21 = vector.load %arg3[%get3A_19, %get3A_20] : memref<10000x128xf32, #tpu.memory_space<vmem>>, vector<10000x128xf32>
    %add3A_22 = arith.addf %dot_general3A_18, %get3A_21 : vector<10000x128xf32>
    %swap3A = arith.constant 0 : index
    %swap3A_23 = arith.constant 0 : index
    %swap3A_24 = vector.load %arg5[%swap3A, %swap3A_23] : memref<10000x128xf32, #tpu.memory_space<vmem>>, vector<10000x128xf32>
    tpu.vector_store %arg5[%swap3A, %swap3A_23], %add3A_22 {strides = array<i32>} : memref<10000x128xf32, #tpu.memory_space<vmem>>, vector<10000x128xf32>,
    return
  }
  func.func @transform_0(%arg0: i32) -> (i32, i32, i32) {
    %c0_i32 = arith.constant 0 : i32
    %c0_i32_0 = arith.constant 0 : i32
    %c0_i32_1 = arith.constant 0 : i32
    return %c0_i32, %arg0, %c0_i32_0 : i32, i32, i32
  }
  func.func @transform_1(%arg0: i32) -> (i32, i32) {
    %c0_i32 = arith.constant 0 : i32
    %c0_i32_0 = arith.constant 0 : i32
    return %arg0, %c0_i32 : i32, i32
  }
  func.func @transform_2(%arg0: i32) -> (i32, i32) {
    %c0_i32 = arith.constant 0 : i32
    %c0_i32_0 = arith.constant 0 : i32
    return %arg0, %c0_i32 : i32, i32
  }
  func.func @transform_3(%arg0: i32) -> (i32, i32) {
    %c0_i32 = arith.constant 0 : i32
    %c0_i32_0 = arith.constant 0 : i32
    %c0_i32_1 = arith.constant 0 : i32
    return %c0_i32, %c0_i32_0 : i32, i32
  }
  func.func @transform_4(%arg0: i32) -> (i32, i32) {
    %c0_i32 = arith.constant 0 : i32
    %c0_i32_0 = arith.constant 0 : i32
    return %arg0, %c0_i32 : i32, i32
  }
}

</mosaic_0001>

<sc_bundles>
// kernel: kernel.11.cloned.1.call-start
scs
__scs_entry_jumppad:
0x0: {  	(pc) =	sbr.rel $0x88, $3  }
0x1: {  	(tag) =	ssettag $0x0;
	lr =	simm.s32 $0x1  }
0x2: {  	[smem:$0x3F99] =	sst lr;
	_ =	strace $0xD0000000  }
0x3: {  	_ = 	snop  }
0x4: {  	_ = 	snop  }
0x5: {  	_ = 	snop  }
0x6: {  	_ = 	snop  }
0x7: {  	_ = 	snop  }
__scs_overlays_trampoline_lowered:
0x8: {  	[smem:$0x3FA8] =	sst s0  }
0x9: {  	[smem:$0x3FA9] =	sst s1  }
0xa: {  	[smem:$0x3FAA] =	sst s2  }
0xb: {  	[smem:$0x3FAB] =	sst s3  }
0xc: {  	[smem:$0x3FAC] =	sst s4  }
0xd: {  	[smem:$0x3FAD] =	sst s5  }
0xe: {  	[smem:$0x3FAE] =	sst s6  }
0xf: {  	[smem:$0x3FAF] =	sst s7  }
0x10: {  	[smem:$0x3FB0] =	sst s8  }
0x11: {  	[smem:$0x3FB1] =	sst s9;
	s0 =	simm.s32 @!p0 $0x0  }
0x12: {  	s1 =	sld [smem:$0x3F97];
	s0 =	simm.s32 @p0 $0x1  }
0x13: {  	[smem:$0x3FB2] =	sst s0;
	s0 =	simm.s32 @!p1 $0x0  }
0x14: {  	s2 =	sld [smem:$0x3F96];
	s0 =	simm.s32 @p1 $0x1  }
0x15: {  	[smem:$0x3FB3] =	sst s0;
	s0 =	simm.s32 @!p2 $0x0  }
0x16: {  	s3 =	sld [smem:$0x3FDB];
	s0 =	simm.s32 @p2 $0x1  }
0x17: {  	s4 =	simm.s32 $0x1BF5;
	[smem:$0x3FB5] =	sst s0  }
0x18: {  	s0 =	sld [smem:$0x3F98];
	_ =	swait.ge [sflag:s4], $0x0  }
0x19: {  	s7 =	sld [smem:$0x3F99]  }
0x1a: {  	s8 =	sadd.s32 $0xFFFFE003, lr  }
0x1b: {  	s9 =	sadd.s32 $0xFFFFFEF7, lr;
	s5 =	simm.s32 $0xFFFFFFFF;
	p2 =	slt.u32 s8, $0xFFFFF086  }
0x1c: {  	p1 =	slt.u32 s9, $0xF7A;
	s5 =	simm.s32 @!p2 $0x0  }
0x1d: {  	s5 =	simm.s32 @p1 $0x1;
	p0 =	seq.s32 s7, s2  }
0x1e: {  	s7 =	smul.u32 @!p0 $0xF7A, s2;
	p2 =	seq.s32 @!p0 s5, $0x0  }
0x1f: {  	s9 =	smul.u32 $0xF7A, s1;
	s8 =	simm.s32 @!p0 $0x1BF5;
	p2 =	por !p2, p0  }
0x20: {  	[sflag:s8] =	ssyncset.s32 @!p0 $0xFFFFF086;
	s6 =	sadd.s32 @!p0 s3, s7;
	s7 =	simm.s32 @!p0 $0x108  }
0x21: {  	s3 =	sadd.s32 s3, s9;
	s6 =	sadd.s32 @!p0 $0x88, s6;
	s7 =	simm.s32 @p2 $0x1082  }
0x22: {  	[simem:s7], [sflag:s8] =	dma.local @!p0 [hbm:s6], $0xF7A  }
0x23: {  	s9 =	sor.u32 $0xD0000000, s2;
	s6 =	simm.s32 $0x108;
	_ =	swait.ge @!p0 [sflag:s8], $0x0  }
0x24: {  	s3 =	sadd.s32 $0x88, s3;
	s6 =	simm.s32 @!p1 $0x1082;
	[sflag:s4] =	ssyncset.s32 $0xFFFFF086  }
0x25: {  	[simem:s6], [sflag:s4] =	dma.local [hbm:s3], $0xF7A  }
0x26: {  	[smem:$0x3F99] =	sst s1;
	(tag) =	ssettag s2;
	_ =	strace s9  }
0x27: {  	s1 =	sld [smem:$0x3FA9]  }
0x28: {  	s2 =	sld [smem:$0x3FAA]  }
0x29: {  	s4 =	sld [smem:$0x3FAC]  }
0x2a: {  	p0 =	seq.s32 s5, $0x0;
	s5 =	sld [smem:$0x3FAD]  }
0x2b: {  	s6 =	sld [smem:$0x3FAE]  }
0x2c: {  	s7 =	sld [smem:$0x3FAF]  }
0x2d: {  	s3 =	simm.s32 $0x108;
	s8 =	sld [smem:$0x3FB0]  }
0x2e: {  	s3 =	simm.s32 @!p0 $0x1082;
	s9 =	sld [smem:$0x3FB1]  }
0x2f: {  	lr =	sadd.s32 s0, s3;
	s0 =	sld [smem:$0x3FA8]  }
0x30: {  	s3 =	sld [smem:$0x3FAB]  }
0x31: {  	[smem:$0x3FB4] =	sst s10  }
0x32: {  	s10 =	sld [smem:$0x3FB2];
	_ =	sdelay $0x3  }
0x33: {  	p0 =	seq.s32 s10, $0x1;
	s10 =	sld [smem:$0x3FB4];
	_ =	sdelay $0x3  }
0x34: {  	[smem:$0x3FB4] =	sst s10  }
0x35: {  	s10 =	sld [smem:$0x3FB3];
	_ =	sdelay $0x3  }
0x36: {  	p1 =	seq.s32 s10, $0x1;
	s10 =	sld [smem:$0x3FB4];
	_ =	sdelay $0x3  }
0x37: {  	[smem:$0x3FB4] =	sst s10  }
0x38: {  	s10 =	sld [smem:$0x3FB5]  }
0x39: {  	_ = 	snop;
	(pc) =	sbr.ind lr, $3  }
0x3a: {  	_ = 	snop  }
0x3b: {  	_ = 	snop  }
0x3c: {  	p2 =	seq.s32 s10, $0x1;
	s10 =	sld [smem:$0x3FB4]  }
0x3d: {  	_ =	shalt  }
0x3e: {  	_ =	shalt  }
0x3f: {  	_ =	shalt  }
0x40: {  	_ =	shalt  }
0x41: {  	_ =	shalt  }
0x42: {  	_ =	shalt  }
0x43: {  	_ =	shalt  }
0x44: {  	_ =	shalt  }
0x45: {  	_ =	shalt  }
0x46: {  	_ =	shalt  }
0x47: {  	_ =	shalt  }
0x48: {  	_ =	shalt  }
0x49: {  	_ =	shalt  }
0x4a: {  	_ =	shalt  }
0x4b: {  	_ =	shalt  }
0x4c: {  	_ =	shalt  }
0x4d: {  	_ =	shalt  }
0x4e: {  	_ =	shalt  }
0x4f: {  	_ =	shalt  }
0x50: {  	_ =	shalt  }
0x51: {  	_ =	shalt  }
0x52: {  	_ =	shalt  }
0x53: {  	_ =	shalt  }
0x54: {  	_ =	shalt  }
0x55: {  	_ =	shalt  }
0x56: {  	_ =	shalt  }
0x57: {  	_ =	shalt  }
0x58: {  	_ =	shalt  }
0x59: {  	_ =	shalt  }
0x5a: {  	_ =	shalt  }
0x5b: {  	_ =	shalt  }
0x5c: {  	_ =	shalt  }
0x5d: {  	_ =	shalt  }
0x5e: {  	_ =	shalt  }
0x5f: {  	_ =	shalt  }
0x60: {  	_ =	shalt  }
0x61: {  	_ =	shalt  }
0x62: {  	_ =	shalt  }
0x63: {  	_ =	shalt  }
0x64: {  	_ =	shalt  }
0x65: {  	_ =	shalt  }
0x66: {  	_ =	shalt  }
0x67: {  	_ =	shalt  }
0x68: {  	_ =	shalt  }
0x69: {  	_ =	shalt  }
0x6a: {  	_ =	shalt  }
0x6b: {  	_ =	shalt  }
0x6c: {  	_ =	shalt  }
0x6d: {  	_ =	shalt  }
0x6e: {  	_ =	shalt  }
0x6f: {  	_ =	shalt  }
0x70: {  	_ =	shalt  }
0x71: {  	_ =	shalt  }
0x72: {  	_ =	shalt  }
0x73: {  	_ =	shalt  }
0x74: {  	_ =	shalt  }
0x75: {  	_ =	shalt  }
0x76: {  	_ =	shalt  }
0x77: {  	_ =	shalt  }
0x78: {  	_ =	shalt  }
0x79: {  	_ =	shalt  }
0x7a: {  	_ =	shalt  }
0x7b: {  	_ =	shalt  }
0x7c: {  	_ =	shalt  }
0x7d: {  	_ =	shalt  }
0x7e: {  	_ =	shalt  }
0x7f: {  	_ =	shalt  }
0x80: {  	_ =	shalt  }
0x81: {  	_ =	shalt  }
0x82: {  	_ =	shalt  }
0x83: {  	_ =	shalt  }
0x84: {  	_ =	shalt  }
0x85: {  	_ =	shalt  }
0x86: {  	_ =	shalt  }
0x87: {  	_ =	shalt  }
.Lfunc_end0:
.L_simem_size_0:
called_computation.1_lowered:
.L_overlay_start_0:
0x88: {  	s2 =	sld [smem:$0x3FD9]  }
0x89: {  	s3 =	sld [smem:$0x3FFE];
	_ =	sdelay $0x1  }
0x8a: {  	s1 =	srdreg.scid  }
0x8b: {  	s0 =	sand.u32 $0x1, s1  }
0x8c: {  	s17 =	sshll.u32 s0, $0xA;
	s2 =	sadd.s32 s3, s2  }
0x8d: {  	s2 =	sadd.s32 s2, s17  }
0x8e: {  	[smem:$0x3FC0] =	sst s2  }
0x8f: {  	_ = 	snop  }
0x90: {  	s2 =	sld [smem:$0x3FD0];
	(tm) =	ssettm $0x1  }
0x91: {  	s18 =	sld [smem:$0x3FFB];
	_ =	sdelay $0x3  }
0x92: {  	_ =	strace s18  }
0x93: {  	s3 =	sld [smem:$0x3FFC];
	_ =	sdelay $0x3  }
0x94: {  	_ =	strace s3  }
0x95: {  	s3 =	sld [smem:$0x3FFD];
	_ =	sdelay $0x3  }
0x96: {  	_ =	strace s3  }
0x97: {  	_ =	strace $0x8FFFFFFF  }
0x98: {  	s19 =	sld [smem:$0x3FDB];
	_ =	sdelay $0x1  }
0x99: {  	s4 =	simm.s32 $_scs_section_size  }
0x9a: {  	s5 =	simm.s32 $_size__tile_overlayer_lowered;
	s6 =	simm.s32 $_tile_overlayer_lowered  }
0x9b: {  	s22 =	simm.s32 $0x1BFF;
	s21 =	sshll.u32 s6, $0x1;
	s3 =	sadd.s32 s4, s19  }
0x9c: {  	s7 =	simm.s32 $0x0;
	s20 =	sshll.u32 s5, $0x1;
	s5 =	sadd.s32 s21, s3  }
0x9d: {  	[timem:s7], [sflag:s22] =	dma.local [hbm:s5], s20  }
0x9e: {  	_ =	swait.ge [sflag:s22], s20  }
0x9f: {  	s4 =	ssub.s32 $0x0, s20;
	[sflag:s22] =	ssyncset.done $0x0  }
0xa0: {  	[sflag:s22] =	ssyncadd.s32 s4;
	_ =	sdelay $0x1  }
0xa1: {  	s23 =	simm.s32 $0x1B8B  }
0xa2: {  	_ =	swait.ge [sflag:s23], $0x1  }
0xa3: {  	[sflag:s23] =	ssyncset.done $0x0  }
0xa4: {  	s25 =	simm.s32 $0x1B8E;
	s24 =	sld [smem:$0x3FFE];
	[sflag:s23] =	ssyncadd.s32 $0xFFFFFFFF  }
0xa5: {  	s26 =	simm.s32 $execute0_lowered;
	[smem:$0x3FD2] =	sst s25  }
0xa6: {  	s5 =	sshll.u32 s26, $0x1;
	_ =	strace $0x80000049;
	[dreg:$0x1] =	wrdreg $0xFFFFFFFF  }
0xa7: {  	s28 =	simm.s32 $_size_execute0_lowered;
	s3 =	sadd.s32 s3, s5;
	[dreg:$0x0] =	wrdreg $0x0  }
0xa8: {  	s5 =	sshll.u32 s28, $0x1;
	[dreg:$0x2] =	wrdreg s3  }
0xa9: {  	[dreg:$0x3] =	wrdreg s5  }
0xaa: {  	[dreg:$0x4] =	wrdreg $0xC0  }
0xab: {  	_ =	task [dreg:s7], $0x5FFFF  }
0xac: {  	[dreg:$0x1] =	wrdreg $0xFFFFFFFF  }
0xad: {  	[dreg:$0x0] =	wrdreg $0x60  }
0xae: {  	[dreg:$0x2] =	wrdreg s2  }
0xaf: {  	[dreg:$0x3] =	wrdreg s24  }
0xb0: {  	[dreg:$0x4] =	wrdreg $0x0  }
0xb1: {  	[dreg:$0x5] =	wrdreg $0x9  }
0xb2: {  	_ =	task.clear_ibuf [dreg:s7], $0x6FFFF;
	_ =	strace $0x90000049  }
0xb3: {  	s29 =	simm.s32 $0x9;
	_ =	strace $0x8000004B  }
0xb4: {  	_ =	swait.ge [sflag:s29], $0x1  }
0xb5: {  	[sflag:s29] =	ssyncadd.s32 $0xFFFFFFFF  }
0xb6: {  	_ =	strace $0x9000004B  }
0xb7: {  	_ =	sfence  }
0xb8: {  	s30 =	sld [smem:$0x0];
	_ =	sdelay $0x2  }
0xb9: {  	s31 =	sshll.u32 s1, $0xD;
	s1 =	sshrl.u32 s1, $0x2  }
0xba: {  	s3 =	sand.u32 $0x4000, s31;
	s1 =	sadd.s32 s1, s30  }
0xbb: {  	s0 =	sor.u32 s3, s0;
	s1 =	sshll.u32 s1, $0x11  }
0xbc: {  	s0 =	sor.u32 s1, s0  }
0xbd: {  	s0 =	sadd.s32 $0x8F2B, s0  }
0xbe: {  	[sflag:s0] =	ssyncadd.remote.s32 $0x1  }
0xbf: {  	_ =	sfence.sel $0xFFFF  }
0xc0: {  	[dreg:$0x0] =	wrdreg $0xFFFFFFFF;
	(pc) =	sbr.abs _section_cstart, $3  }
0xc1: {  	[dreg:$0x1] =	wrdreg $0xFFFFFFFF  }
0xc2: {  	_ =	task.clear_ibuf [dreg:s7], $0x2FFFF;
	_ =	strace $0x9FFFFFFF  }
0xc3: {  	(tm) =	ssettm $0x7FFFFFFF  }
tec
execute0_lowered:
.L_overlay_start_1:
0x0: {  	(tag) =	ssettag $0x1  }
0x1: {  	s1 =	rddreg [dreg:$0x0]  }
0x2: {  	s0 =	rddreg [dreg:$0x1]  }
0x3: {  	s2 =	rddreg [dreg:$0x2];
	s3 =	simm.s32 $0x0  }
0x4: {  	s4 =	srdreg.scid;
	s14 =	stileid.u32;
	s28 =	simm.s32 $0x1B480  }
0x5: {  	s29 =	simm.s32 $0x5;
	s30 =	simm.s32 $0x8;
	[smem:$0x7FF] =	sst s3  }
0x6: {  	s5 =	sadd.s32 $0xBC00, s0;
	s6 =	sadd.s32 $0x1E00, s0;
	s10 =	smul.u32 $0x4E200, s14  }
0x7: {  	s4 =	sand.u32 $0x1, s4;
	s7 =	sshll.u32 s14, $0x1;
	s12 =	smul.u32 $0x14000, s14  }
0x8: {  	s8 =	sadd.s32 $0x15A00, s0;
	s0 =	sadd.s32 $0x16600, s0;
	s26 =	smul.u32 $0x50000, s14  }
0x9: {  	s20 =	sshll.u32 s14, $0x6;
	s31 =	smul.u32 $0x4E20, s14;
	p0 =	seq.s32 s14, $0xF  }
0xa: {  	s14 =	simm.s32 $0x1;
	_ =	strace $0x8000004A;
	s9 =	ssub.s32 $0x2, s4  }
0xb: {  	s7 =	sor.u32 s4, s7;
	[dreg:$0x4] =	wrdreg s8;
	s23 =	smul.u32 $0x138800, s4  }
0xc: {  	s4 =	smul.u32 $0x2710, s4;
	s11 =	sshrl.u32 s9, $0x1;
	s19 =	sshrl.u32 s10, $0x2  }
0xd: {  	s8 =	smul.u32 $0x2710, s7;
	s18 =	ssub.s32 s9, s11;
	s15 =	sadd.s32 s19, s2  }
0xe: {  	s9 =	sor.u32 $0x1C03, s20;
	s12 =	sadd.s32 s12, s23;
	s4 =	sadd.s32 s4, s31  }
0xf: {  	s21 =	sshrl.u32 s8, $0x3;
	[dreg:$0x6] =	wrdreg s9;
	s12 =	sshrl.u32 s12, $0x3  }
0x10: {  	s9 =	sshrl.u32 s23, $0x3;
	s17 =	sadd.s32 $0x1E0, s4;
	s7 =	smax.u32 s18, $0x1  }
0x11: {  	s18 =	sadd.s32 $0x190, s4;
	s23 =	sadd.s32 $0x7D00, s15;
	[dreg:$0x5] =	wrdreg s15  }
0x12: {  	s31 =	sadd.s32 $0xFA00, s15;
	s22 =	sadd.s32 s5, s21;
	[dreg:$0xf] =	wrdreg s7  }
0x13: {  	s24 =	sadd.s32 s6, s21;
	s25 =	sadd.s32 $0xA, s21;
	[dreg:$0x7] =	wrdreg s22  }
0x14: {  	s10 =	sadd.s32 $0x14, s21;
	s12 =	sadd.s32 s0, s12;
	[dreg:$0x8] =	wrdreg s24  }
0x15: {  	s0 =	sadd.s32 s0, s9;
	s21 =	sadd.s32 $0x140, s4;
	[dreg:$0xd] =	wrdreg s12  }
0x16: {  	s20 =	sshrl.u32 s18, $0x3;
	s13 =	sadd.s32 s5, s25;
	[dreg:$0x14] =	wrdreg s21  }
0x17: {  	s4 =	sadd.s32 $0x12C000, s2;
	s11 =	sadd.s32 s6, s25;
	[dreg:$0x9] =	wrdreg s13  }
0x18: {  	s18 =	simm.s32 $0x16280;
	s16 =	sadd.s32 s5, s10;
	[dreg:$0xa] =	wrdreg s11  }
0x19: {  	s10 =	sadd.s32 s6, s10;
	s0 =	sadd.s32 $0x25800, s0;
	[dreg:$0xb] =	wrdreg s16  }
0x1a: {  	s7 =	sadd.s32 s20, s6;
	s22 =	sadd.s32 $0x3E80, s15;
	[dreg:$0xc] =	wrdreg s10  }
0x1b: {  	s24 =	sadd.s32 $0xBB80, s15;
	s25 =	sshrl.u32 s23, $0x3;
	[dreg:$0xe] =	wrdreg s0  }
0x1c: {  	s12 =	simm.s32 $0x16200;
	s15 =	simm.s32 $0x50;
	[dreg:$0x12] =	wrdreg s7  }
0x1d: {  	s16 =	sshrl.u32 s26, $0x2;
	s0 =	sshrl.u32 s17, $0x3;
	[dreg:$0x16] =	wrdreg s25  }
0x1e: {  	s26 =	sshrl.u32 s24, $0x3;
	s24 =	simm.s32 $0x1B380;
	s25 =	simm.s32 $0x1B400  }
0x1f: {  	s17 =	simm.s32 $0x6;
	s7 =	simm.s32 $0xB;
	s10 =	simm.s32 $0x9  }
0x20: {  	s9 =	sadd.s32 s16, s2;
	s19 =	sadd.s32 s0, s6;
	[dreg:$0x17] =	wrdreg s26  }
0x21: {  	s0 =	sadd.s32 s0, s5;
	s16 =	simm.s32 $0x13980;
	[dreg:$0x10] =	wrdreg s19  }
0x22: {  	s26 =	simm.s32 $0xA;
	[dreg:$0x11] =	wrdreg s0;
	s0 =	sadd.s32 s20, s5  }
.Ltmp0:
0x23: {  	[dreg:$0x13] =	wrdreg s0;
	s0 =	sshrl.u32 s22, $0x3;
	(pc) =	sbr.rel .LBB2_1-.Ltmp0, $4  }
0x24: {  	s19 =	simm.s32 $0x2;
	[dreg:$0x15] =	wrdreg s0;
	s0 =	sshrl.u32 s31, $0x3  }
0x25: {  	s20 =	simm.s32 $0x0;
	[dreg:$0x18] =	wrdreg s0;
	s0 =	sshrl.u32 @p0 s4, $0x3  }
0x26: {  	s4 =	simm.s32 $0x13900;
	[dreg:$0x19] =	wrdreg s0;
	s0 =	sshrl.u32 @!p0 s9, $0x3  }
0x27: {  	s9 =	simm.s32 $0x3;
	[dreg:$0x1a] =	wrdreg s0;
	s0 =	simm.s32 $0x13880  }
.LBB2_10:
0x28: {  	_ =	swait.ge [sflag:s9], $0x2800  }
0x29: {  	[sflag:s9] =	ssyncset.done $0x0  }
0x2a: {  	[sflag:s9] =	ssyncadd.s32 $0xFFFFD800  }
0x2b: {  	[bflag:$0x0] =	sbarrier.arrive $0xFFFF  }
0x2c: {  	s13 =	rddreg [dreg:$0xe]  }
0x2d: {  	s11 =	simm.s32 @p0 $0x1FCD;
	s20 =	rddreg [dreg:$0x19]  }
0x2e: {  	[hbm:s13], [sflag:s11] =	dma.local @p0 [spmem:s20], $0x1900  }
0x2f: {  	s11 =	simm.s32 @p0 $0xD  }
0x30: {  	s13 =	stileid.u32;
	_ =	swait.ge @p0 [sflag:s11], $0x1900  }
0x31: {  	s13 =	sshll.u32 @!p0 s13, $0x6;
	[sflag:s11] =	ssyncset.done @p0 $0x0;
	s20 =	rddreg [dreg:$0x1a]  }
0x32: {  	[sflag:s11] =	ssyncadd.s32 @p0 $0xFFFFE700;
	s11 =	sor.u32 @!p0 $0x1C0D, s13;
	s13 =	rddreg [dreg:$0xd]  }
0x33: {  	[hbm:s13], [sflag:s11] =	dma.local @!p0 [spmem:s20], $0x2800  }
0x34: {  	s11 =	simm.s32 @!p0 $0xD  }
0x35: {  	_ =	swait.ge @!p0 [sflag:s11], $0x2800  }
0x36: {  	s23 =	rddreg [dreg:$0x1b]  }
0x37: {  	s31 =	rddreg [dreg:$0xf];
	s20 =	sadd.s32 $0x1, s23  }
0x38: {  	p1 =	sne.s32 s20, s31  }
.Ltmp1:
0x39: {  	_ = 	snop;
	(pc) =	sbr.rel @!p1 .LBB2_11-.Ltmp1, $3  }
0x3a: {  	_ =	sdelay $0x1  }
0x3b: {  	[sflag:s11] =	ssyncset.done @!p0 $0x0  }
0x3c: {  	[sflag:s11] =	ssyncadd.s32 @!p0 $0xFFFFD800  }
.LBB2_1:
0x3d: {  	[dreg:$0x1b] =	wrdreg s20  }
0x3e: {  	s11 =	rddreg [dreg:$0x5]  }
0x3f: {  	s21 =	rddreg [dreg:$0x4]  }
0x40: {  	s13 =	rddreg [dreg:$0x6];
	s11 =	sshrl.u32 s11, $0x3  }
0x41: {  	[spmem:s11], [sflag:s13] =	dma.local [hbm:s21], $0x7D0  }
0x42: {  	s20 =	rddreg [dreg:$0x15]  }
0x43: {  	[spmem:s20], [sflag:s13] =	dma.local [hbm:s21], $0x7D0  }
0x44: {  	s20 =	rddreg [dreg:$0x16]  }
0x45: {  	[spmem:s20], [sflag:s13] =	dma.local [hbm:s21], $0x7D0  }
0x46: {  	s20 =	rddreg [dreg:$0x17]  }
0x47: {  	[spmem:s20], [sflag:s13] =	dma.local [hbm:s21], $0x7D0  }
0x48: {  	s20 =	rddreg [dreg:$0x18]  }
0x49: {  	[spmem:s20], [sflag:s13] =	dma.local [hbm:s21], $0x7D0  }
0x4a: {  	s11 =	rddreg [dreg:$0x7]  }
0x4b: {  	[tilespmem:s0], [sflag:$0x1] =	stream.linear.gather [hbm4b:s11+s3], $0x50, $0x38;
	[tilespmem:$0x1DC80] =	vst v63  }
0x4c: {  	s22 =	rddreg [dreg:$0x8]  }
0x4d: {  	[tilespmem:s4], [sflag:$0x1] =	stream.linear.gather [hbm4b:s22+s3], $0x50, $0x38;
	[tilespmem:$0x1DC80] =	vst v63  }
0x4e: {  	s13 =	simm.s32 $0x16180;
	s23 =	rddreg [dreg:$0x9]  }
0x4f: {  	[tilespmem:s13], [sflag:$0x4] =	stream.linear.gather [hbm4b:s23+s3], $0x50, $0x38;
	[tilespmem:$0x1DC80] =	vst v63  }
0x50: {  	s31 =	rddreg [dreg:$0xa]  }
0x51: {  	[tilespmem:s12], [sflag:$0x4] =	stream.linear.gather [hbm4b:s31+s3], $0x50, $0x38;
	[tilespmem:$0x1DC80] =	vst v63  }
0x52: {  	s21 =	simm.s32 $0x18A80;
	s20 =	rddreg [dreg:$0xb]  }
0x53: {  	[tilespmem:s21], [sflag:$0x7] =	stream.linear.gather [hbm4b:s20+s3], $0x50, $0x38;
	[tilespmem:$0x1DC80] =	vst v63  }
0x54: {  	s22 =	rddreg [dreg:$0xc];
	s23 =	simm.s32 $0x18B00  }
0x55: {  	[tilespmem:s23], [sflag:$0x7] =	stream.linear.gather [hbm4b:s22+s3], $0x50, $0x38;
	[tilespmem:$0x1DC80] =	vst v63  }
0x56: {  	_ =	swait.ge [sflag:s14], $0x50  }
0x57: {  	[sflag:s14] =	ssyncset.done $0x0  }
0x58: {  	[sflag:s14] =	ssyncadd.s32 $0xFFFFFFB0  }
0x59: {  	_ =	swait.ge [sflag:s14], $0x50  }
0x5a: {  	[sflag:s14] =	ssyncset.done $0x0  }
0x5b: {  	s31 =	simm.s32 $0x4;
	[sflag:s14] =	ssyncadd.s32 $0xFFFFFFB0  }
0x5c: {  	[tilespmem:s16], [sflag:$0x2] =	stream.indirect.gather [hbm4b:s1+s15], $0x80, s0, s15, $0xb8;
	[tilespmem:$0x1DC80] =	vst v63  }
0x5d: {  	_ =	swait.ge [sflag:s31], $0x50  }
0x5e: {  	[sflag:s31] =	ssyncset.done $0x0  }
0x5f: {  	[sflag:s31] =	ssyncadd.s32 $0xFFFFFFB0  }
0x60: {  	_ =	swait.ge [sflag:s31], $0x50  }
0x61: {  	[sflag:s31] =	ssyncset.done $0x0  }
0x62: {  	[sflag:s31] =	ssyncadd.s32 $0xFFFFFFB0  }
0x63: {  	[tilespmem:s18], [sflag:$0x5] =	stream.indirect.gather [hbm4b:s1+s15], $0x80, s13, s15, $0xb8;
	[tilespmem:$0x1DC80] =	vst v63  }
0x64: {  	_ =	swait.ge [sflag:s9], $0x7D0  }
0x65: {  	[sflag:s9] =	ssyncset.done $0x0  }
0x66: {  	[sflag:s9] =	ssyncadd.s32 $0xFFFFF830  }
0x67: {  	_ =	swait.ge [sflag:s9], $0x7D0  }
0x68: {  	[sflag:s9] =	ssyncset.done $0x0  }
0x69: {  	[sflag:s9] =	ssyncadd.s32 $0xFFFFF830  }
0x6a: {  	_ =	swait.ge [sflag:s9], $0x7D0  }
0x6b: {  	[sflag:s9] =	ssyncset.done $0x0  }
0x6c: {  	[sflag:s9] =	ssyncadd.s32 $0xFFFFF830  }
0x6d: {  	_ =	swait.ge [sflag:s9], $0x7D0  }
0x6e: {  	[sflag:s9] =	ssyncset.done $0x0  }
0x6f: {  	[sflag:s9] =	ssyncadd.s32 $0xFFFFF830  }
.Ltmp2:
0x70: {  	_ =	swait.ge [sflag:s9], $0x7D0;
	(pc) =	sbr.rel .LBB2_2-.Ltmp2, $4  }
0x71: {  	[sflag:s9] =	ssyncset.done $0x0  }
0x72: {  	[sflag:s9] =	ssyncadd.s32 $0xFFFFF830  }
0x73: {  	s20 =	simm.s32 $0x3;
	[bflag:$0x0] =	sbarrier.arrive $0xFFFF  }
0x74: {  	s22 =	simm.s32 $0x0;
	s23 =	simm.s32 $0x0;
	s21 =	rddreg [dreg:$0x14]  }
.LBB2_8:
0x75: {  	_ =	swait.ge [sflag:s7], $0x2800  }
0x76: {  	[sflag:s7] =	ssyncset.done $0x0  }
0x77: {  	[sflag:s7] =	ssyncadd.s32 $0xFFFFD800  }
0x78: {  	[spmem:s2] =	stream.indirect.scatter.add.f32 [tilespmem:s28], [sflag:$0xC], $0x80, s25, s15, $0xb8;
	[tilespmem:$0x1DC80] =	vst v63  }
0x79: {  	_ =	swait.ge [sflag:s10], $0x2800  }
0x7a: {  	[sflag:s10] =	ssyncset.done $0x0  }
0x7b: {  	[sflag:s10] =	ssyncadd.s32 $0xFFFFD800  }
.LBB2_9:
0x7c: {  	s22 =	sadd.s32 $0x28, s22  }
0x7d: {  	p1 =	sne.s32 s22, $0x500  }
.Ltmp3:
0x7e: {  	_ = 	snop;
	(pc) =	sbr.rel @!p1 .LBB2_10-.Ltmp3, $2  }
0x7f: {  	_ =	sdelay $0x2  }
0x80: {  	s23 =	sadd.s32 $0x1, s23;
	s21 =	sadd.s32 $0x140, s21;
	s20 =	sadd.s32 $0x4, s20  }
.LBB2_2:
0x81: {  	p1 =	seq.s32 s22, $0x4D8  }
0x82: {  	s11 =	simm.s32 @!p1 $0x7  }
0x83: {  	_ =	swait.ge @!p1 [sflag:s11], $0x50  }
0x84: {  	[sflag:s11] =	ssyncset.done @!p1 $0x0  }
0x85: {  	[sflag:s11] =	ssyncadd.s32 @!p1 $0xFFFFFFB0  }
0x86: {  	_ =	swait.ge @!p1 [sflag:s11], $0x50  }
0x87: {  	s31 =	simm.s32 @!p1 $0x18A80;
	[sflag:s11] =	ssyncset.done @!p1 $0x0  }
0x88: {  	s13 =	simm.s32 @!p1 $0x18B80;
	[sflag:s11] =	ssyncadd.s32 @!p1 $0xFFFFFFB0;
	s11 =	simm.s32 @!p1 $0x50  }
0x89: {  	[tilespmem:s13], [sflag:$0x8] =	stream.indirect.gather @!p1 [hbm4b:s1+s11], $0x80, s31, s11, $0xb8;
	[tilespmem:$0x1DC80] =	vst v63  }
0x8a: {  	p1 =	seq.s32 s22, $0x0  }
0x8b: {  	_ =	swait.ge [sflag:s19], $0x2800;
	p2 =	sgt.u32 @!p1 s20, $0x7C  }
0x8c: {  	[sflag:s19] =	ssyncset.done $0x0;
	p2 =	por p1, !p2  }
.Ltmp4:
0x8d: {  	s11 =	simm.s32 @!p1 $0xC;
	[sflag:s19] =	ssyncadd.s32 $0xFFFFD800;
	(pc) =	sbr.rel @!p2 .LBB2_12-.Ltmp4, $4  }
0x8e: {  	[spmem:s2] =	stream.indirect.scatter.add.f32 [tilespmem:s16], [sflag:$0x3], $0x80, s4, s15, $0xb8;
	[tilespmem:$0x1DC80] =	vst v63  }
0x8f: {  	_ =	swait.ge @!p1 [sflag:s11], $0x2800  }
0x90: {  	[sflag:s11] =	ssyncset.done @!p1 $0x0  }
0x91: {  	[sflag:s11] =	ssyncadd.s32 @!p1 $0xFFFFD800  }
0x92: {  	s11 =	smov.u32 s20  }
0x93: {  	s11 =	simm.s32 @p1 $0x3  }
0x94: {  	s11 =	smul.u32 $0x50, s11;
	_ =	sdelay $0x1  }
0x95: {  	p1 =	slt.u32 s23, $0x1F;
	s11 =	sadd.s32 s8, s11  }
.Ltmp5:
0x96: {  	s11 =	sshrl.u32 s11, $0x3;
	(pc) =	sbr.rel @!p1 .LBB2_8-.Ltmp5, $4  }
0x97: {  	s13 =	sadd.s32 s5, s11  }
0x98: {  	[tilespmem:s24], [sflag:$0xA] =	stream.linear.gather [hbm4b:s13+s3], $0x50, $0x38;
	[tilespmem:$0x1DC80] =	vst v63  }
0x99: {  	s11 =	sadd.s32 s6, s11  }
0x9a: {  	[tilespmem:s25], [sflag:$0xA] =	stream.linear.gather [hbm4b:s11+s3], $0x50, $0x38;
	[tilespmem:$0x1DC80] =	vst v63  }
0x9b: {  	_ =	swait.ge [sflag:s26], $0x50  }
0x9c: {  	[sflag:s26] =	ssyncset.done $0x0  }
.Ltmp6:
0x9d: {  	[sflag:s26] =	ssyncadd.s32 $0xFFFFFFB0;
	(pc) =	sbr.rel .LBB2_5-.Ltmp6, $4  }
0x9e: {  	_ =	swait.ge [sflag:s26], $0x50  }
0x9f: {  	[sflag:s26] =	ssyncset.done $0x0  }
0xa0: {  	p1 =	por $0x1, $0x1;
	[sflag:s26] =	ssyncadd.s32 $0xFFFFFFB0  }
0xa1: {  	[tilespmem:s28], [sflag:$0xB] =	stream.indirect.gather [hbm4b:s1+s15], $0x80, s24, s15, $0xb8;
	[tilespmem:$0x1DC80] =	vst v63  }
.LBB2_12:
0xa2: {  	p2 =	slt.u32 s23, $0x1F  }
.Ltmp7:
0xa3: {  	_ = 	snop;
	(pc) =	sbr.rel @!p2 .LBB2_9-.Ltmp7, $2  }
0xa4: {  	_ =	sdelay $0x2  }
0xa5: {  	p1 =	por $0x0, $0x0  }
.LBB2_5:
0xa6: {  	_ =	swait.ge [sflag:s29], $0x2800  }
0xa7: {  	[sflag:s29] =	ssyncset.done $0x0  }
0xa8: {  	[sflag:s29] =	ssyncadd.s32 $0xFFFFD800  }
0xa9: {  	[spmem:s2] =	stream.indirect.scatter.add.f32 [tilespmem:s18], [sflag:$0x6], $0x80, s12, s15, $0xb8;
	[tilespmem:$0x1DC80] =	vst v63  }
0xaa: {  	_ =	swait.ge [sflag:s9], $0x2800  }
0xab: {  	s11 =	sshrl.u32 s21, $0x3;
	[sflag:s9] =	ssyncset.done $0x0  }
0xac: {  	s13 =	sadd.s32 s5, s11;
	[sflag:s9] =	ssyncadd.s32 $0xFFFFD800  }
0xad: {  	[tilespmem:s0], [sflag:$0x1] =	stream.linear.gather [hbm4b:s13+s3], $0x50, $0x38;
	[tilespmem:$0x1DC80] =	vst v63  }
0xae: {  	s11 =	sadd.s32 s6, s11  }
0xaf: {  	[tilespmem:s4], [sflag:$0x1] =	stream.linear.gather [hbm4b:s11+s3], $0x50, $0x38;
	[tilespmem:$0x1DC80] =	vst v63  }
0xb0: {  	_ =	swait.ge [sflag:s14], $0x50  }
0xb1: {  	[sflag:s14] =	ssyncset.done $0x0  }
0xb2: {  	[sflag:s14] =	ssyncadd.s32 $0xFFFFFFB0  }
0xb3: {  	_ =	swait.ge [sflag:s14], $0x50  }
0xb4: {  	[sflag:s14] =	ssyncset.done $0x0  }
0xb5: {  	[sflag:s14] =	ssyncadd.s32 $0xFFFFFFB0  }
0xb6: {  	[tilespmem:s16], [sflag:$0x2] =	stream.indirect.gather [hbm4b:s1+s15], $0x80, s0, s15, $0xb8;
	[tilespmem:$0x1DC80] =	vst v63  }
0xb7: {  	_ =	swait.ge [sflag:s30], $0x2800  }
0xb8: {  	s31 =	simm.s32 $0x18B80;
	p2 =	seq.s32 s22, $0x4B0;
	[sflag:s30] =	ssyncset.done $0x0  }
.Ltmp8:
0xb9: {  	s13 =	simm.s32 $0x18B00;
	[sflag:s30] =	ssyncadd.s32 $0xFFFFD800;
	(pc) =	sbr.rel @!p2 .LBB2_6-.Ltmp8, $4  }
0xba: {  	[spmem:s2] =	stream.indirect.scatter.add.f32 [tilespmem:s31], [sflag:$0x9], $0x80, s13, s15, $0xb8;
	[tilespmem:$0x1DC80] =	vst v63  }
0xbb: {  	_ =	swait.ge [sflag:s17], $0x2800  }
0xbc: {  	[sflag:s17] =	ssyncset.done $0x0  }
0xbd: {  	[sflag:s17] =	ssyncadd.s32 $0xFFFFD800  }
.Ltmp9:
0xbe: {  	(pc) =	sbr.rel @!p1 .LBB2_9-.Ltmp9, $4  }
.Ltmp10:
0xbf: {  	(pc) =	sbr.rel @p1 .LBB2_8-.Ltmp10, $4  }
0xc0: {  	_ = 	snop  }
0xc1: {  	_ = 	snop  }
0xc2: {  	_ = 	snop  }
0xc3: {  	_ = 	snop  }
.LBB2_6:
0xc4: {  	s11 =	rddreg [dreg:$0x13]  }
0xc5: {  	s13 =	simm.s32 $0x16180;
	s31 =	rddreg [dreg:$0x12];
	s11 =	sadd.s32 s22, s11  }
0xc6: {  	[tilespmem:s13], [sflag:$0x4] =	stream.linear.gather [hbm4b:s11+s3], $0x50, $0x38;
	[tilespmem:$0x1DC80] =	vst v63  }
0xc7: {  	s11 =	sadd.s32 s22, s31  }
0xc8: {  	[tilespmem:s12], [sflag:$0x4] =	stream.linear.gather [hbm4b:s11+s3], $0x50, $0x38;
	[tilespmem:$0x1DC80] =	vst v63  }
0xc9: {  	s11 =	simm.s32 @p1 $0x4  }
0xca: {  	_ =	swait.ge @p1 [sflag:s11], $0x50  }
0xcb: {  	[sflag:s11] =	ssyncset.done @p1 $0x0  }
0xcc: {  	[sflag:s11] =	ssyncadd.s32 @p1 $0xFFFFFFB0  }
0xcd: {  	_ =	swait.ge @p1 [sflag:s11], $0x50  }
0xce: {  	s13 =	simm.s32 @p1 $0x16180;
	[sflag:s11] =	ssyncset.done @p1 $0x0  }
0xcf: {  	s31 =	simm.s32 @p1 $0x16280;
	[sflag:s11] =	ssyncadd.s32 @p1 $0xFFFFFFB0;
	s11 =	simm.s32 @p1 $0x50  }
0xd0: {  	[tilespmem:s31], [sflag:$0x5] =	stream.indirect.gather @p1 [hbm4b:s1+s11], $0x80, s13, s11, $0xb8;
	[tilespmem:$0x1DC80] =	vst v63  }
0xd1: {  	s13 =	simm.s32 @p1 $0xB  }
0xd2: {  	_ =	swait.ge @p1 [sflag:s13], $0x2800  }
0xd3: {  	[sflag:s13] =	ssyncset.done @p1 $0x0  }
0xd4: {  	s31 =	simm.s32 @p1 $0x1B480;
	[sflag:s13] =	ssyncadd.s32 @p1 $0xFFFFD800;
	s13 =	simm.s32 @p1 $0x1B400  }
0xd5: {  	[spmem:s2] =	stream.indirect.scatter.add.f32 @p1 [tilespmem:s31], [sflag:$0xC], $0x80, s13, s11, $0xb8;
	[tilespmem:$0x1DC80] =	vst v63  }
0xd6: {  	s11 =	simm.s32 @p1 $0x9  }
0xd7: {  	_ =	swait.ge @p1 [sflag:s11], $0x2800  }
0xd8: {  	[sflag:s11] =	ssyncset.done @p1 $0x0  }
0xd9: {  	s13 =	simm.s32 @p1 $0x0;
	[sflag:s11] =	ssyncadd.s32 @p1 $0xFFFFD800;
	s11 =	rddreg [dreg:$0x11]  }
.Ltmp11:
0xda: {  	s31 =	simm.s32 @p1 $0x18A80;
	s11 =	sadd.s32 @p1 s22, s11;
	(pc) =	sbr.rel .LBB2_9-.Ltmp11, $4  }
0xdb: {  	[tilespmem:s31], [sflag:$0x7] =	stream.linear.gather @p1 [hbm4b:s11+s13], $0x50, $0x38;
	[tilespmem:$0x1DC80] =	vst v63  }
0xdc: {  	s11 =	rddreg [dreg:$0x10]  }
0xdd: {  	s31 =	simm.s32 @p1 $0x18B00;
	s11 =	sadd.s32 @p1 s22, s11  }
0xde: {  	[tilespmem:s31], [sflag:$0x7] =	stream.linear.gather @p1 [hbm4b:s11+s13], $0x50, $0x38;
	[tilespmem:$0x1DC80] =	vst v63  }
.LBB2_11:
0xdf: {  	_ =	sfence.sel $0x180000  }
0xe0: {  	[bflag:$0x0] =	sbarrier.arrive $0xFFFF  }
0xe1: {  	_ =	strace $0x9000004A  }
0xe2: {  	s0 =	stileid.u32;
	[bflag:$0x2] =	sbarrier.arrive $0xFFFF  }
0xe3: {  	p0 =	sne.s32 s0, $0x0;
	s0 =	rddreg [dreg:$0x3]  }
0xe4: {  	s0 =	sadd.s32 @!p0 $0x100000, s0  }
0xe5: {  	[sflag:s0] =	ssyncadd.tile.s32 @!p0 $0x1;
	_ =	shalt  }
.Lfunc_end2:
_tile_overlayer_lowered:
.L_overlay_start_2:
0xe6: {  	(tag) =	ssettag $0x2  }
0xe7: {  	s0 =	rddreg [dreg:$0x0];
	s2 =	stileid.u32  }
0xe8: {  	s1 =	rddreg [dreg:$0x1];
	p0 =	sne.s32 s2, $0x0  }
0xe9: {  	s3 =	rddreg [dreg:$0x2];
	[bflag:$0x3] =	sbarrier.arrive $0xFFFF;
	s2 =	simm.s32 @!p0 $0x1C0D  }
0xea: {  	[timem:s3], [sflag:s2] =	dma.local @!p0 [hbm:s0], s1  }
0xeb: {  	s0 =	simm.s32 @!p0 $0xD  }
0xec: {  	_ =	swait.ge @!p0 [sflag:s0], s1  }
0xed: {  	s1 =	ssub.s32 @!p0 $0x0, s1;
	[sflag:s0] =	ssyncset.done @!p0 $0x0  }
0xee: {  	[sflag:s0] =	ssyncadd.s32 @!p0 s1  }
0xef: {  	[bflag:$0x3] =	sbarrier.arrive $0xFFFF  }
0xf0: {  	_ =	shalt  }

// kernel: kernel.8.cloned.1.call-start
scs
__scs_entry_jumppad:
0x0: {  	(pc) =	sbr.rel $0x88, $3  }
0x1: {  	(tag) =	ssettag $0x0;
	lr =	simm.s32 $0x1  }
0x2: {  	[smem:$0x3F99] =	sst lr;
	_ =	strace $0xD0000000  }
0x3: {  	_ = 	snop  }
0x4: {  	_ = 	snop  }
0x5: {  	_ = 	snop  }
0x6: {  	_ = 	snop  }
0x7: {  	_ = 	snop  }
__scs_overlays_trampoline_lowered:
0x8: {  	[smem:$0x3FA8] =	sst s0  }
0x9: {  	[smem:$0x3FA9] =	sst s1  }
0xa: {  	[smem:$0x3FAA] =	sst s2  }
0xb: {  	[smem:$0x3FAB] =	sst s3  }
0xc: {  	[smem:$0x3FAC] =	sst s4  }
0xd: {  	[smem:$0x3FAD] =	sst s5  }
0xe: {  	[smem:$0x3FAE] =	sst s6  }
0xf: {  	[smem:$0x3FAF] =	sst s7  }
0x10: {  	[smem:$0x3FB0] =	sst s8  }
0x11: {  	[smem:$0x3FB1] =	sst s9;
	s0 =	simm.s32 @!p0 $0x0  }
0x12: {  	s1 =	sld [smem:$0x3F97];
	s0 =	simm.s32 @p0 $0x1  }
0x13: {  	[smem:$0x3FB2] =	sst s0;
	s0 =	simm.s32 @!p1 $0x0  }
0x14: {  	s2 =	sld [smem:$0x3F96];
	s0 =	simm.s32 @p1 $0x1  }
0x15: {  	[smem:$0x3FB3] =	sst s0;
	s0 =	simm.s32 @!p2 $0x0  }
0x16: {  	s3 =	sld [smem:$0x3FDB];
	s0 =	simm.s32 @p2 $0x1  }
0x17: {  	s4 =	simm.s32 $0x1BF5;
	[smem:$0x3FB5] =	sst s0  }
0x18: {  	s0 =	sld [smem:$0x3F98];
	_ =	swait.ge [sflag:s4], $0x0  }
0x19: {  	s7 =	sld [smem:$0x3F99]  }
0x1a: {  	s8 =	sadd.s32 $0xFFFFE003, lr  }
0x1b: {  	s9 =	sadd.s32 $0xFFFFFEF7, lr;
	s5 =	simm.s32 $0xFFFFFFFF;
	p2 =	slt.u32 s8, $0xFFFFF086  }
0x1c: {  	p1 =	slt.u32 s9, $0xF7A;
	s5 =	simm.s32 @!p2 $0x0  }
0x1d: {  	s5 =	simm.s32 @p1 $0x1;
	p0 =	seq.s32 s7, s2  }
0x1e: {  	s7 =	smul.u32 @!p0 $0xF7A, s2;
	p2 =	seq.s32 @!p0 s5, $0x0  }
0x1f: {  	s9 =	smul.u32 $0xF7A, s1;
	s8 =	simm.s32 @!p0 $0x1BF5;
	p2 =	por !p2, p0  }
0x20: {  	[sflag:s8] =	ssyncset.s32 @!p0 $0xFFFFF086;
	s6 =	sadd.s32 @!p0 s3, s7;
	s7 =	simm.s32 @!p0 $0x108  }
0x21: {  	s3 =	sadd.s32 s3, s9;
	s6 =	sadd.s32 @!p0 $0x88, s6;
	s7 =	simm.s32 @p2 $0x1082  }
0x22: {  	[simem:s7], [sflag:s8] =	dma.local @!p0 [hbm:s6], $0xF7A  }
0x23: {  	s9 =	sor.u32 $0xD0000000, s2;
	s6 =	simm.s32 $0x108;
	_ =	swait.ge @!p0 [sflag:s8], $0x0  }
0x24: {  	s3 =	sadd.s32 $0x88, s3;
	s6 =	simm.s32 @!p1 $0x1082;
	[sflag:s4] =	ssyncset.s32 $0xFFFFF086  }
0x25: {  	[simem:s6], [sflag:s4] =	dma.local [hbm:s3], $0xF7A  }
0x26: {  	[smem:$0x3F99] =	sst s1;
	(tag) =	ssettag s2;
	_ =	strace s9  }
0x27: {  	s1 =	sld [smem:$0x3FA9]  }
0x28: {  	s2 =	sld [smem:$0x3FAA]  }
0x29: {  	s4 =	sld [smem:$0x3FAC]  }
0x2a: {  	p0 =	seq.s32 s5, $0x0;
	s5 =	sld [smem:$0x3FAD]  }
0x2b: {  	s6 =	sld [smem:$0x3FAE]  }
0x2c: {  	s7 =	sld [smem:$0x3FAF]  }
0x2d: {  	s3 =	simm.s32 $0x108;
	s8 =	sld [smem:$0x3FB0]  }
0x2e: {  	s3 =	simm.s32 @!p0 $0x1082;
	s9 =	sld [smem:$0x3FB1]  }
0x2f: {  	lr =	sadd.s32 s0, s3;
	s0 =	sld [smem:$0x3FA8]  }
0x30: {  	s3 =	sld [smem:$0x3FAB]  }
0x31: {  	[smem:$0x3FB4] =	sst s10  }
0x32: {  	s10 =	sld [smem:$0x3FB2];
	_ =	sdelay $0x3  }
0x33: {  	p0 =	seq.s32 s10, $0x1;
	s10 =	sld [smem:$0x3FB4];
	_ =	sdelay $0x3  }
0x34: {  	[smem:$0x3FB4] =	sst s10  }
0x35: {  	s10 =	sld [smem:$0x3FB3];
	_ =	sdelay $0x3  }
0x36: {  	p1 =	seq.s32 s10, $0x1;
	s10 =	sld [smem:$0x3FB4];
	_ =	sdelay $0x3  }
0x37: {  	[smem:$0x3FB4] =	sst s10  }
0x38: {  	s10 =	sld [smem:$0x3FB5]  }
0x39: {  	_ = 	snop;
	(pc) =	sbr.ind lr, $3  }
0x3a: {  	_ = 	snop  }
0x3b: {  	_ = 	snop  }
0x3c: {  	p2 =	seq.s32 s10, $0x1;
	s10 =	sld [smem:$0x3FB4]  }
0x3d: {  	_ =	shalt  }
0x3e: {  	_ =	shalt  }
0x3f: {  	_ =	shalt  }
0x40: {  	_ =	shalt  }
0x41: {  	_ =	shalt  }
0x42: {  	_ =	shalt  }
0x43: {  	_ =	shalt  }
0x44: {  	_ =	shalt  }
0x45: {  	_ =	shalt  }
0x46: {  	_ =	shalt  }
0x47: {  	_ =	shalt  }
0x48: {  	_ =	shalt  }
0x49: {  	_ =	shalt  }
0x4a: {  	_ =	shalt  }
0x4b: {  	_ =	shalt  }
0x4c: {  	_ =	shalt  }
0x4d: {  	_ =	shalt  }
0x4e: {  	_ =	shalt  }
0x4f: {  	_ =	shalt  }
0x50: {  	_ =	shalt  }
0x51: {  	_ =	shalt  }
0x52: {  	_ =	shalt  }
0x53: {  	_ =	shalt  }
0x54: {  	_ =	shalt  }
0x55: {  	_ =	shalt  }
0x56: {  	_ =	shalt  }
0x57: {  	_ =	shalt  }
0x58: {  	_ =	shalt  }
0x59: {  	_ =	shalt  }
0x5a: {  	_ =	shalt  }
0x5b: {  	_ =	shalt  }
0x5c: {  	_ =	shalt  }
0x5d: {  	_ =	shalt  }
0x5e: {  	_ =	shalt  }
0x5f: {  	_ =	shalt  }
0x60: {  	_ =	shalt  }
0x61: {  	_ =	shalt  }
0x62: {  	_ =	shalt  }
0x63: {  	_ =	shalt  }
0x64: {  	_ =	shalt  }
0x65: {  	_ =	shalt  }
0x66: {  	_ =	shalt  }
0x67: {  	_ =	shalt  }
0x68: {  	_ =	shalt  }
0x69: {  	_ =	shalt  }
0x6a: {  	_ =	shalt  }
0x6b: {  	_ =	shalt  }
0x6c: {  	_ =	shalt  }
0x6d: {  	_ =	shalt  }
0x6e: {  	_ =	shalt  }
0x6f: {  	_ =	shalt  }
0x70: {  	_ =	shalt  }
0x71: {  	_ =	shalt  }
0x72: {  	_ =	shalt  }
0x73: {  	_ =	shalt  }
0x74: {  	_ =	shalt  }
0x75: {  	_ =	shalt  }
0x76: {  	_ =	shalt  }
0x77: {  	_ =	shalt  }
0x78: {  	_ =	shalt  }
0x79: {  	_ =	shalt  }
0x7a: {  	_ =	shalt  }
0x7b: {  	_ =	shalt  }
0x7c: {  	_ =	shalt  }
0x7d: {  	_ =	shalt  }
0x7e: {  	_ =	shalt  }
0x7f: {  	_ =	shalt  }
0x80: {  	_ =	shalt  }
0x81: {  	_ =	shalt  }
0x82: {  	_ =	shalt  }
0x83: {  	_ =	shalt  }
0x84: {  	_ =	shalt  }
0x85: {  	_ =	shalt  }
0x86: {  	_ =	shalt  }
0x87: {  	_ =	shalt  }
.Lfunc_end0:
.L_simem_size_0:
called_computation_lowered:
.L_overlay_start_0:
0x88: {  	s2 =	sld [smem:$0x3FD9]  }
0x89: {  	s3 =	sld [smem:$0x3FFE];
	_ =	sdelay $0x1  }
0x8a: {  	s1 =	srdreg.scid  }
0x8b: {  	s0 =	sand.u32 $0x1, s1  }
0x8c: {  	s17 =	sshll.u32 s0, $0xA;
	s2 =	sadd.s32 s3, s2  }
0x8d: {  	s2 =	sadd.s32 s2, s17  }
0x8e: {  	[smem:$0x3FC0] =	sst s2  }
0x8f: {  	_ = 	snop  }
0x90: {  	s2 =	sld [smem:$0x3FC9]  }
0x91: {  	s18 =	sld [smem:$0x3FD0];
	(tm) =	ssettm $0x1  }
0x92: {  	s4 =	sld [smem:$0x3FFB];
	_ =	sdelay $0x3  }
0x93: {  	_ =	strace s4  }
0x94: {  	s4 =	sld [smem:$0x3FFC];
	_ =	sdelay $0x3  }
0x95: {  	_ =	strace s4  }
0x96: {  	s4 =	sld [smem:$0x3FFD];
	_ =	sdelay $0x3  }
0x97: {  	_ =	strace s4  }
0x98: {  	_ =	strace $0x8FFFFFFF  }
0x99: {  	s19 =	sld [smem:$0x3FDB];
	_ =	sdelay $0x1  }
0x9a: {  	s5 =	simm.s32 $_scs_section_size  }
0x9b: {  	s6 =	simm.s32 $_size__tile_overlayer_lowered;
	s7 =	simm.s32 $_tile_overlayer_lowered  }
0x9c: {  	s22 =	simm.s32 $0x1BFF;
	s21 =	sshll.u32 s7, $0x1;
	s4 =	sadd.s32 s5, s19  }
0x9d: {  	s8 =	simm.s32 $0x0;
	s20 =	sshll.u32 s6, $0x1;
	s6 =	sadd.s32 s21, s4  }
0x9e: {  	[timem:s8], [sflag:s22] =	dma.local [hbm:s6], s20  }
0x9f: {  	_ =	swait.ge [sflag:s22], s20  }
0xa0: {  	s5 =	ssub.s32 $0x0, s20;
	[sflag:s22] =	ssyncset.done $0x0  }
0xa1: {  	[sflag:s22] =	ssyncadd.s32 s5;
	_ =	sdelay $0x1  }
0xa2: {  	s23 =	simm.s32 $0x1B8B  }
0xa3: {  	_ =	swait.ge [sflag:s23], $0x1  }
0xa4: {  	[sflag:s23] =	ssyncset.done $0x0  }
0xa5: {  	s25 =	simm.s32 $0x1B8E;
	s24 =	sld [smem:$0x3FFE];
	[sflag:s23] =	ssyncadd.s32 $0xFFFFFFFF  }
0xa6: {  	s26 =	simm.s32 $execute0_lowered;
	[smem:$0x3FD2] =	sst s25  }
0xa7: {  	s6 =	sshll.u32 s26, $0x1;
	_ =	strace $0x80000046;
	[dreg:$0x1] =	wrdreg $0xFFFFFFFF  }
0xa8: {  	s28 =	simm.s32 $_size_execute0_lowered;
	s4 =	sadd.s32 s4, s6;
	[dreg:$0x0] =	wrdreg $0x0  }
0xa9: {  	s6 =	sshll.u32 s28, $0x1;
	[dreg:$0x2] =	wrdreg s4  }
0xaa: {  	[dreg:$0x3] =	wrdreg s6  }
0xab: {  	[dreg:$0x4] =	wrdreg $0xC0  }
0xac: {  	_ =	task [dreg:s8], $0x5FFFF  }
0xad: {  	[dreg:$0x1] =	wrdreg $0xFFFFFFFF  }
0xae: {  	[dreg:$0x0] =	wrdreg $0x60  }
0xaf: {  	[dreg:$0x2] =	wrdreg s2  }
0xb0: {  	[dreg:$0x3] =	wrdreg s24  }
0xb1: {  	[dreg:$0x4] =	wrdreg s18  }
0xb2: {  	[dreg:$0x5] =	wrdreg $0x0  }
0xb3: {  	[dreg:$0x6] =	wrdreg $0x1DC800  }
0xb4: {  	[dreg:$0x7] =	wrdreg $0x9  }
0xb5: {  	_ =	task.clear_ibuf [dreg:s8], $0x8FFFF;
	_ =	strace $0x90000046  }
0xb6: {  	s29 =	simm.s32 $0x9;
	_ =	strace $0x80000048  }
0xb7: {  	_ =	swait.ge [sflag:s29], $0x1  }
0xb8: {  	[sflag:s29] =	ssyncadd.s32 $0xFFFFFFFF  }
0xb9: {  	_ =	strace $0x90000048  }
0xba: {  	_ =	sfence  }
0xbb: {  	s30 =	sld [smem:$0x0];
	_ =	sdelay $0x2  }
0xbc: {  	s31 =	sshll.u32 s1, $0xD;
	s1 =	sshrl.u32 s1, $0x2  }
0xbd: {  	s3 =	sand.u32 $0x4000, s31;
	s1 =	sadd.s32 s1, s30  }
0xbe: {  	s0 =	sor.u32 s3, s0;
	s1 =	sshll.u32 s1, $0x11  }
0xbf: {  	s0 =	sor.u32 s1, s0  }
0xc0: {  	s0 =	sadd.s32 $0x8F2B, s0  }
0xc1: {  	[sflag:s0] =	ssyncadd.remote.s32 $0x1  }
0xc2: {  	_ =	sfence.sel $0xFFFF  }
0xc3: {  	[dreg:$0x0] =	wrdreg $0xFFFFFFFF;
	(pc) =	sbr.abs _section_cstart, $3  }
0xc4: {  	[dreg:$0x1] =	wrdreg $0xFFFFFFFF  }
0xc5: {  	_ =	task.clear_ibuf [dreg:s8], $0x2FFFF;
	_ =	strace $0x9FFFFFFF  }
0xc6: {  	(tm) =	ssettm $0x7FFFFFFF  }
0xc7: {  	_ =	shalt  }
tec
execute0_lowered:
.L_overlay_start_1:
0x0: {  	(tag) =	ssettag $0x1  }
0x1: {  	s1 =	rddreg [dreg:$0x0]  }
0x2: {  	s0 =	rddreg [dreg:$0x1]  }
0x3: {  	s7 =	rddreg [dreg:$0x2]  }
0x4: {  	s2 =	rddreg [dreg:$0x3]  }
0x5: {  	s3 =	rddreg [dreg:$0x4];
	s4 =	simm.s32 $0x0;
	s16 =	srdreg.scid  }
0x6: {  	s11 =	stileid.u32;
	s30 =	simm.s32 $0x2;
	s31 =	simm.s32 $0x3  }
0x7: {  	[smem:$0x7FF] =	sst s4;
	s5 =	sadd.s32 $0xBC00, s0;
	s10 =	smul.u32 $0xA00, s11  }
0x8: {  	s6 =	sadd.s32 $0x1E00, s0;
	s8 =	sadd.s32 $0x15A00, s0;
	s13 =	smul.u32 $0x4E200, s11  }
0x9: {  	s14 =	sadd.s32 $0x16200, s0;
	s15 =	sadd.s32 $0x16400, s0;
	s19 =	smul.u32 $0x500, s11  }
0xa: {  	s0 =	sadd.s32 $0x16600, s0;
	s9 =	sshll.u32 s11, $0x1;
	s23 =	smul.u32 $0x14000, s11  }
0xb: {  	s26 =	smul.u32 $0x4E20, s11;
	_ =	strace $0x80000047;
	[dreg:$0x6] =	wrdreg s8  }
0xc: {  	s29 =	smul.u32 $0x50000, s11;
	[dreg:$0x7] =	wrdreg s14;
	s8 =	sand.u32 $0x1, s16  }
0xd: {  	p0 =	seq.s32 s11, $0xF;
	[dreg:$0x8] =	wrdreg s15;
	s12 =	ssub.s32 $0x2, s8  }
0xe: {  	s9 =	sor.u32 s8, s9;
	s10 =	sshrl.u32 s10, $0x2;
	s22 =	smul.u32 $0x138800, s8  }
0xf: {  	s17 =	sshrl.u32 s13, $0x2;
	s21 =	sshll.u32 s8, $0x7;
	s8 =	smul.u32 $0x2710, s8  }
0x10: {  	s13 =	simm.s32 $0x4;
	s14 =	sshrl.u32 s12, $0x1;
	s15 =	smul.u32 $0x2710, s9  }
0x11: {  	s10 =	sadd.s32 s10, s3;
	s16 =	sadd.s32 s17, s2;
	s9 =	ssub.s32 s12, s14  }
0x12: {  	[dreg:$0xa] =	wrdreg s10;
	s12 =	sor.u32 s21, s19;
	s25 =	sadd.s32 s23, s22  }
0x13: {  	s28 =	sshrl.u32 s22, $0x3;
	s8 =	sadd.s32 s8, s26;
	[dreg:$0xb] =	wrdreg s16  }
0x14: {  	s22 =	sadd.s32 $0x3E80, s16;
	s23 =	sadd.s32 $0x7D00, s16;
	[dreg:$0x9] =	wrdreg s15  }
0x15: {  	s18 =	sshrl.u32 s15, $0x3;
	s12 =	sshrl.u32 s12, $0x3;
	s9 =	smax.u32 s9, $0x1  }
0x16: {  	s20 =	sadd.s32 s5, s18;
	s15 =	sadd.s32 $0xA, s18;
	s17 =	sadd.s32 s6, s18  }
0x17: {  	s7 =	sadd.s32 s7, s12;
	s10 =	sadd.s32 $0x14, s18;
	[dreg:$0x15] =	wrdreg s9  }
0x18: {  	s18 =	sadd.s32 $0x1E0, s8;
	s9 =	simm.s32 $0xA;
	[dreg:$0xc] =	wrdreg s20  }
0x19: {  	s12 =	simm.s32 $0x0;
	[dreg:$0xd] =	wrdreg s17;
	s24 =	sadd.s32 s5, s15  }
0x1a: {  	[dreg:$0xf] =	wrdreg s7;
	s7 =	sshrl.u32 s25, $0x3;
	s14 =	sadd.s32 s6, s15  }
0x1b: {  	s15 =	sadd.s32 s5, s10;
	s10 =	sadd.s32 s6, s10;
	[dreg:$0xe] =	wrdreg s24  }
0x1c: {  	s17 =	sadd.s32 $0x190, s8;
	s20 =	sshrl.u32 s18, $0x3;
	[dreg:$0x11] =	wrdreg s14  }
0x1d: {  	s8 =	sadd.s32 $0x140, s8;
	s25 =	sshrl.u32 s23, $0x3;
	[dreg:$0x12] =	wrdreg s15  }
0x1e: {  	s23 =	simm.s32 $0x13980;
	s18 =	simm.s32 $0x6;
	[dreg:$0x13] =	wrdreg s10  }
0x1f: {  	s7 =	sadd.s32 s0, s7;
	s0 =	sadd.s32 s0, s28;
	[dreg:$0x18] =	wrdreg s8  }
0x20: {  	s21 =	sadd.s32 s20, s6;
	s24 =	sadd.s32 $0xBB80, s16;
	[dreg:$0x1c] =	wrdreg s25  }
0x21: {  	s28 =	sadd.s32 $0xFA00, s16;
	s8 =	sadd.s32 $0x12C000, s2;
	s15 =	simm.s32 $0x1DF00  }
0x22: {  	s16 =	simm.s32 $0x13880;
	s10 =	simm.s32 $0x5;
	[dreg:$0x10] =	wrdreg s7  }
0x23: {  	s25 =	simm.s32 $0x9;
	s0 =	sadd.s32 $0x25800, s0;
	[dreg:$0x19] =	wrdreg s21  }
0x24: {  	s7 =	sshrl.u32 s29, $0x2;
	s26 =	sshrl.u32 s24, $0x3;
	[dreg:$0x14] =	wrdreg s0  }
0x25: {  	s29 =	sshll.u32 s11, $0x6;
	s0 =	sshrl.u32 s17, $0x3;
	[dreg:$0x1d] =	wrdreg s26  }
0x26: {  	s21 =	simm.s32 $0x1;
	[smem:$0x7FC] =	sst s29;
	s19 =	sadd.s32 s0, s6  }
0x27: {  	s7 =	sadd.s32 s7, s2;
	s0 =	sadd.s32 s0, s5;
	[dreg:$0x16] =	wrdreg s19  }
0x28: {  	s24 =	simm.s32 $0xB;
	s7 =	sshrl.u32 @!p0 s7, $0x3;
	[dreg:$0x17] =	wrdreg s0  }
0x29: {  	s17 =	simm.s32 $0x13900;
	s0 =	sadd.s32 s20, s5;
	[smem:$0x7FB] =	sst s7  }
.Ltmp0:
0x2a: {  	[dreg:$0x1a] =	wrdreg s0;
	s0 =	sshrl.u32 s22, $0x3;
	(pc) =	sbr.rel .LBB2_1-.Ltmp0, $4  }
0x2b: {  	s19 =	simm.s32 $0x16200;
	[dreg:$0x1b] =	wrdreg s0;
	s0 =	sshrl.u32 s28, $0x3  }
0x2c: {  	s20 =	simm.s32 $0x18B00;
	[dreg:$0x1e] =	wrdreg s0;
	s0 =	sshrl.u32 @p0 s8, $0x3  }
0x2d: {  	s7 =	simm.s32 $0x8;
	[dreg:$0x1f] =	wrdreg s0;
	s0 =	sor.u32 $0x1C03, s29  }
0x2e: {  	s22 =	simm.s32 $0x50;
	s8 =	simm.s32 $0x1B400;
	[smem:$0x7FD] =	sst s0  }
.LBB2_10:
0x2f: {  	_ =	swait.ge [sflag:s31], $0x2800  }
0x30: {  	[sflag:s31] =	ssyncset.done $0x0  }
0x31: {  	[sflag:s31] =	ssyncadd.s32 $0xFFFFD800  }
0x32: {  	_ =	swait.ge [sflag:s31], $0x50  }
0x33: {  	[sflag:s31] =	ssyncset.done $0x0  }
0x34: {  	[sflag:s31] =	ssyncadd.s32 $0xFFFFFFB0  }
0x35: {  	[bflag:$0x0] =	sbarrier.arrive $0xFFFF  }
0x36: {  	s0 =	sld [smem:$0x7FC]  }
0x37: {  	s26 =	sld [smem:$0x7FA]  }
0x38: {  	s12 =	simm.s32 $0x20  }
0x39: {  	s14 =	simm.s32 $0x10;
	s11 =	rddreg [dreg:$0xf];
	s0 =	sor.u32 $0x1C0D, s0  }
0x3a: {  	[hbm:s11@s12], [sflag:s0] =	dma.strided [spmem:s26@s14], $0x50, s21, $0x10   }
0x3b: {  	s26 =	simm.s32 $0xD  }
0x3c: {  	_ =	swait.ge [sflag:s26], $0x50  }
0x3d: {  	[sflag:s26] =	ssyncset.done $0x0;
	s11 =	rddreg [dreg:$0x14]  }
0x3e: {  	s12 =	rddreg [dreg:$0x1f];
	[sflag:s26] =	ssyncadd.s32 $0xFFFFFFB0  }
0x3f: {  	[hbm:s11], [sflag:s0] =	dma.local @p0 [spmem:s12], $0x1900  }
0x40: {  	s11 =	simm.s32 @p0 $0xD  }
0x41: {  	_ =	swait.ge @p0 [sflag:s11], $0x1900  }
0x42: {  	s12 =	sld [smem:$0x7FB]  }
0x43: {  	[sflag:s11] =	ssyncset.done @p0 $0x0  }
0x44: {  	[sflag:s11] =	ssyncadd.s32 @p0 $0xFFFFE700;
	s11 =	rddreg [dreg:$0x10]  }
0x45: {  	[hbm:s11], [sflag:s0] =	dma.local @!p0 [spmem:s12], $0x2800  }
0x46: {  	s0 =	simm.s32 @!p0 $0xD  }
0x47: {  	_ =	swait.ge @!p0 [sflag:s0], $0x2800  }
0x48: {  	s28 =	sld [smem:$0x7F9];
	_ =	sdelay $0x2  }
0x49: {  	s29 =	rddreg [dreg:$0x15];
	s12 =	sadd.s32 $0x1, s28  }
0x4a: {  	p1 =	sne.s32 s12, s29  }
.Ltmp1:
0x4b: {  	_ = 	snop;
	(pc) =	sbr.rel @!p1 .LBB2_11-.Ltmp1, $3  }
0x4c: {  	_ =	sdelay $0x1  }
0x4d: {  	[sflag:s0] =	ssyncset.done @!p0 $0x0  }
0x4e: {  	[sflag:s0] =	ssyncadd.s32 @!p0 $0xFFFFD800  }
.LBB2_1:
0x4f: {  	[smem:$0x7F9] =	sst s12  }
0x50: {  	s0 =	rddreg [dreg:$0x8]  }
0x51: {  	s12 =	rddreg [dreg:$0xa]  }
0x52: {  	s26 =	sld [smem:$0x7FD]  }
0x53: {  	[tilespmem:s15], [sflag:$0x3] =	stream.linear.gather [hbm4b:s0+s4], $0x80, $0x38;
	[tilespmem:$0x1DF80] =	vst v63  }
0x54: {  	s14 =	rddreg [dreg:$0x7];
	s11 =	sshrl.u32 s12, $0x3  }
0x55: {  	[smem:$0x7FA] =	sst s11  }
0x56: {  	[spmem:s11], [sflag:s26] =	dma.local [hbm:s14], $0x50  }
0x57: {  	s0 =	rddreg [dreg:$0xb]  }
0x58: {  	s11 =	rddreg [dreg:$0x6];
	s0 =	sshrl.u32 s0, $0x3  }
0x59: {  	[spmem:s0], [sflag:s26] =	dma.local [hbm:s11], $0x7D0  }
0x5a: {  	s0 =	rddreg [dreg:$0x1b]  }
0x5b: {  	[spmem:s0], [sflag:s26] =	dma.local [hbm:s11], $0x7D0  }
0x5c: {  	s0 =	rddreg [dreg:$0x1c]  }
0x5d: {  	[spmem:s0], [sflag:s26] =	dma.local [hbm:s11], $0x7D0  }
0x5e: {  	s0 =	rddreg [dreg:$0x1d]  }
0x5f: {  	[spmem:s0], [sflag:s26] =	dma.local [hbm:s11], $0x7D0  }
0x60: {  	s0 =	rddreg [dreg:$0x1e]  }
0x61: {  	[spmem:s0], [sflag:s26] =	dma.local [hbm:s11], $0x7D0  }
0x62: {  	s0 =	rddreg [dreg:$0xc]  }
0x63: {  	[tilespmem:s16], [sflag:$0x1] =	stream.linear.gather [hbm4b:s0+s4], $0x50, $0x38;
	[tilespmem:$0x1DF80] =	vst v63  }
0x64: {  	s28 =	rddreg [dreg:$0xd]  }
0x65: {  	[tilespmem:s17], [sflag:$0x1] =	stream.linear.gather [hbm4b:s28+s4], $0x50, $0x38;
	[tilespmem:$0x1DF80] =	vst v63  }
0x66: {  	s11 =	simm.s32 $0x16180;
	s29 =	rddreg [dreg:$0xe]  }
0x67: {  	[tilespmem:s11], [sflag:$0x4] =	stream.linear.gather [hbm4b:s29+s4], $0x50, $0x38;
	[tilespmem:$0x1DF80] =	vst v63  }
0x68: {  	s12 =	rddreg [dreg:$0x11]  }
0x69: {  	[tilespmem:s19], [sflag:$0x4] =	stream.linear.gather [hbm4b:s12+s4], $0x50, $0x38;
	[tilespmem:$0x1DF80] =	vst v63  }
0x6a: {  	s26 =	simm.s32 $0x18A80;
	s14 =	rddreg [dreg:$0x12]  }
0x6b: {  	[tilespmem:s26], [sflag:$0x7] =	stream.linear.gather [hbm4b:s14+s4], $0x50, $0x38;
	[tilespmem:$0x1DF80] =	vst v63  }
0x6c: {  	s28 =	rddreg [dreg:$0x13]  }
0x6d: {  	[tilespmem:s20], [sflag:$0x7] =	stream.linear.gather [hbm4b:s28+s4], $0x50, $0x38;
	[tilespmem:$0x1DF80] =	vst v63  }
0x6e: {  	_ =	swait.ge [sflag:s21], $0x50  }
0x6f: {  	[sflag:s21] =	ssyncset.done $0x0  }
0x70: {  	[sflag:s21] =	ssyncadd.s32 $0xFFFFFFB0  }
0x71: {  	_ =	swait.ge [sflag:s21], $0x50  }
0x72: {  	[sflag:s21] =	ssyncset.done $0x0  }
0x73: {  	[sflag:s21] =	ssyncadd.s32 $0xFFFFFFB0  }
0x74: {  	[tilespmem:s23], [sflag:$0x2] =	stream.indirect.gather [hbm4b:s1+s22], $0x80, s16, s22, $0xb8;
	[tilespmem:$0x1DF80] =	vst v63  }
0x75: {  	_ =	swait.ge [sflag:s13], $0x50  }
0x76: {  	[sflag:s13] =	ssyncset.done $0x0  }
0x77: {  	[sflag:s13] =	ssyncadd.s32 $0xFFFFFFB0  }
0x78: {  	_ =	swait.ge [sflag:s13], $0x50  }
0x79: {  	[sflag:s13] =	ssyncset.done $0x0  }
0x7a: {  	s29 =	simm.s32 $0x16280;
	[sflag:s13] =	ssyncadd.s32 $0xFFFFFFB0  }
0x7b: {  	[tilespmem:s29], [sflag:$0x5] =	stream.indirect.gather [hbm4b:s1+s22], $0x80, s11, s22, $0xb8;
	[tilespmem:$0x1DF80] =	vst v63  }
0x7c: {  	_ =	swait.ge [sflag:s31], $0x80  }
0x7d: {  	[sflag:s31] =	ssyncset.done $0x0  }
0x7e: {  	[sflag:s31] =	ssyncadd.s32 $0xFFFFFF80  }
0x7f: {  	_ =	swait.ge [sflag:s31], $0x50  }
0x80: {  	[sflag:s31] =	ssyncset.done $0x0  }
0x81: {  	[sflag:s31] =	ssyncadd.s32 $0xFFFFFFB0  }
0x82: {  	_ =	swait.ge [sflag:s31], $0x7D0  }
0x83: {  	[sflag:s31] =	ssyncset.done $0x0  }
0x84: {  	[sflag:s31] =	ssyncadd.s32 $0xFFFFF830  }
0x85: {  	_ =	swait.ge [sflag:s31], $0x7D0  }
0x86: {  	[sflag:s31] =	ssyncset.done $0x0  }
0x87: {  	[sflag:s31] =	ssyncadd.s32 $0xFFFFF830  }
0x88: {  	_ =	swait.ge [sflag:s31], $0x7D0  }
0x89: {  	[sflag:s31] =	ssyncset.done $0x0  }
0x8a: {  	[sflag:s31] =	ssyncadd.s32 $0xFFFFF830  }
0x8b: {  	_ =	swait.ge [sflag:s31], $0x7D0  }
0x8c: {  	[sflag:s31] =	ssyncset.done $0x0  }
0x8d: {  	[sflag:s31] =	ssyncadd.s32 $0xFFFFF830  }
.Ltmp2:
0x8e: {  	_ =	swait.ge [sflag:s31], $0x7D0;
	(pc) =	sbr.rel .LBB2_2-.Ltmp2, $4  }
0x8f: {  	[sflag:s31] =	ssyncset.done $0x0  }
0x90: {  	[sflag:s31] =	ssyncadd.s32 $0xFFFFF830  }
0x91: {  	s0 =	simm.s32 $0x0;
	[bflag:$0x0] =	sbarrier.arrive $0xFFFF  }
0x92: {  	s12 =	simm.s32 $0x0;
	s14 =	simm.s32 $0x3;
	s26 =	rddreg [dreg:$0x18]  }
.LBB2_8:
0x93: {  	_ =	swait.ge [sflag:s24], $0x2800  }
0x94: {  	[sflag:s24] =	ssyncset.done $0x0  }
0x95: {  	s11 =	simm.s32 $0x1B480;
	[sflag:s24] =	ssyncadd.s32 $0xFFFFD800  }
0x96: {  	[spmem:s2] =	stream.indirect.scatter.add.f32 [tilespmem:s11], [sflag:$0xC], $0x80, s8, s22, $0xb8;
	[tilespmem:$0x1DF80] =	vst v63  }
0x97: {  	_ = 	snop  }
0x98: {  	[spmem:s3] =	stream.indirect.scatter.add.f32 [tilespmem:s15], [sflag:$0xC], $0x1, s8, s22, $0xb8;
	[tilespmem:$0x1DF80] =	vst v63  }
0x99: {  	_ =	swait.ge [sflag:s25], $0x2800  }
0x9a: {  	[sflag:s25] =	ssyncset.done $0x0  }
0x9b: {  	[sflag:s25] =	ssyncadd.s32 $0xFFFFD800  }
0x9c: {  	_ =	swait.ge [sflag:s25], $0x50  }
0x9d: {  	s28 =	simm.s32 @p2 $0x0;
	[sflag:s25] =	ssyncset.done $0x0;
	s11 =	rddreg [dreg:$0x1a]  }
0x9e: {  	s29 =	simm.s32 @p2 $0x18A80;
	[sflag:s25] =	ssyncadd.s32 $0xFFFFFFB0;
	s11 =	sadd.s32 @p2 s0, s11  }
0x9f: {  	[tilespmem:s29], [sflag:$0x7] =	stream.linear.gather @p2 [hbm4b:s11+s28], $0x50, $0x38;
	[tilespmem:$0x1DF80] =	vst v63  }
0xa0: {  	s11 =	rddreg [dreg:$0x19]  }
0xa1: {  	s29 =	simm.s32 @p2 $0x18B00;
	s11 =	sadd.s32 @p2 s0, s11  }
0xa2: {  	[tilespmem:s29], [sflag:$0x7] =	stream.linear.gather @p2 [hbm4b:s11+s28], $0x50, $0x38;
	[tilespmem:$0x1DF80] =	vst v63  }
.LBB2_9:
0xa3: {  	s0 =	sadd.s32 $0x28, s0  }
0xa4: {  	p1 =	sne.s32 s0, $0x500  }
.Ltmp3:
0xa5: {  	_ = 	snop;
	(pc) =	sbr.rel @!p1 .LBB2_10-.Ltmp3, $2  }
0xa6: {  	_ =	sdelay $0x2  }
0xa7: {  	s12 =	sadd.s32 $0x1, s12;
	s26 =	sadd.s32 $0x140, s26;
	s14 =	sadd.s32 $0x4, s14  }
.LBB2_2:
0xa8: {  	p1 =	seq.s32 s0, $0x4D8  }
0xa9: {  	s11 =	simm.s32 @!p1 $0x7  }
0xaa: {  	_ =	swait.ge @!p1 [sflag:s11], $0x50  }
0xab: {  	[sflag:s11] =	ssyncset.done @!p1 $0x0  }
0xac: {  	[sflag:s11] =	ssyncadd.s32 @!p1 $0xFFFFFFB0  }
0xad: {  	_ =	swait.ge @!p1 [sflag:s11], $0x50  }
0xae: {  	s28 =	simm.s32 @!p1 $0x18A80;
	[sflag:s11] =	ssyncset.done @!p1 $0x0  }
0xaf: {  	s29 =	simm.s32 @!p1 $0x18B80;
	[sflag:s11] =	ssyncadd.s32 @!p1 $0xFFFFFFB0;
	s11 =	simm.s32 @!p1 $0x50  }
0xb0: {  	[tilespmem:s29], [sflag:$0x8] =	stream.indirect.gather @!p1 [hbm4b:s1+s11], $0x80, s28, s11, $0xb8;
	[tilespmem:$0x1DF80] =	vst v63  }
0xb1: {  	_ =	swait.ge [sflag:s30], $0x2800  }
0xb2: {  	[sflag:s30] =	ssyncset.done $0x0  }
0xb3: {  	p1 =	seq.s32 s0, $0x0;
	[sflag:s30] =	ssyncadd.s32 $0xFFFFD800  }
0xb4: {  	[spmem:s2] =	stream.indirect.scatter.add.f32 [tilespmem:s23], [sflag:$0x3], $0x80, s17, s22, $0xb8;
	[tilespmem:$0x1DF80] =	vst v63  }
0xb5: {  	s11 =	simm.s32 @!p1 $0xC;
	p2 =	sgt.u32 @!p1 s14, $0x7C  }
0xb6: {  	[spmem:s3] =	stream.indirect.scatter.add.f32 [tilespmem:s15], [sflag:$0x3], $0x1, s17, s22, $0xb8;
	[tilespmem:$0x1DF80] =	vst v63  }
0xb7: {  	p2 =	por p1, !p2;
	_ =	swait.ge @!p1 [sflag:s11], $0x2800  }
.Ltmp4:
0xb8: {  	[sflag:s11] =	ssyncset.done @!p1 $0x0;
	(pc) =	sbr.rel @!p2 .LBB2_12-.Ltmp4, $4  }
0xb9: {  	[sflag:s11] =	ssyncadd.s32 @!p1 $0xFFFFD800  }
0xba: {  	_ =	swait.ge @!p1 [sflag:s11], $0x50  }
0xbb: {  	[sflag:s11] =	ssyncset.done @!p1 $0x0  }
0xbc: {  	[sflag:s11] =	ssyncadd.s32 @!p1 $0xFFFFFFB0  }
0xbd: {  	s11 =	smov.u32 s14  }
0xbe: {  	s11 =	simm.s32 @p1 $0x3  }
0xbf: {  	s11 =	smul.u32 $0x50, s11  }
0xc0: {  	s28 =	rddreg [dreg:$0x9]  }
0xc1: {  	p1 =	slt.u32 s12, $0x1F;
	s11 =	sadd.s32 s28, s11  }
.Ltmp5:
0xc2: {  	s11 =	sshrl.u32 s11, $0x3;
	(pc) =	sbr.rel @!p1 .LBB2_8-.Ltmp5, $4  }
0xc3: {  	s29 =	simm.s32 $0x1B380;
	s28 =	sadd.s32 s5, s11  }
0xc4: {  	[tilespmem:s29], [sflag:$0xA] =	stream.linear.gather [hbm4b:s28+s4], $0x50, $0x38;
	[tilespmem:$0x1DF80] =	vst v63  }
0xc5: {  	p2 =	por $0x0, $0x0;
	s11 =	sadd.s32 s6, s11  }
0xc6: {  	[tilespmem:s8], [sflag:$0xA] =	stream.linear.gather [hbm4b:s11+s4], $0x50, $0x38;
	[tilespmem:$0x1DF80] =	vst v63  }
0xc7: {  	_ =	swait.ge [sflag:s9], $0x50  }
0xc8: {  	[sflag:s9] =	ssyncset.done $0x0  }
.Ltmp6:
0xc9: {  	[sflag:s9] =	ssyncadd.s32 $0xFFFFFFB0;
	(pc) =	sbr.rel .LBB2_5-.Ltmp6, $4  }
0xca: {  	_ =	swait.ge [sflag:s9], $0x50  }
0xcb: {  	s11 =	simm.s32 $0x1B380;
	[sflag:s9] =	ssyncset.done $0x0  }
0xcc: {  	s28 =	simm.s32 $0x1B480;
	p1 =	por $0x1, $0x1;
	[sflag:s9] =	ssyncadd.s32 $0xFFFFFFB0  }
0xcd: {  	[tilespmem:s28], [sflag:$0xB] =	stream.indirect.gather [hbm4b:s1+s22], $0x80, s11, s22, $0xb8;
	[tilespmem:$0x1DF80] =	vst v63  }
.LBB2_12:
0xce: {  	p2 =	slt.u32 s12, $0x1F  }
.Ltmp7:
0xcf: {  	_ = 	snop;
	(pc) =	sbr.rel @!p2 .LBB2_9-.Ltmp7, $2  }
0xd0: {  	_ =	sdelay $0x2  }
0xd1: {  	p1 =	por $0x0, $0x0  }
.LBB2_5:
0xd2: {  	_ =	swait.ge [sflag:s10], $0x2800  }
0xd3: {  	[sflag:s10] =	ssyncset.done $0x0  }
0xd4: {  	s11 =	simm.s32 $0x16280;
	[sflag:s10] =	ssyncadd.s32 $0xFFFFD800  }
0xd5: {  	[spmem:s2] =	stream.indirect.scatter.add.f32 [tilespmem:s11], [sflag:$0x6], $0x80, s19, s22, $0xb8;
	[tilespmem:$0x1DF80] =	vst v63  }
0xd6: {  	_ = 	snop  }
0xd7: {  	[spmem:s3] =	stream.indirect.scatter.add.f32 [tilespmem:s15], [sflag:$0x6], $0x1, s19, s22, $0xb8;
	[tilespmem:$0x1DF80] =	vst v63  }
0xd8: {  	_ =	swait.ge [sflag:s31], $0x2800  }
0xd9: {  	[sflag:s31] =	ssyncset.done $0x0  }
0xda: {  	[sflag:s31] =	ssyncadd.s32 $0xFFFFD800  }
0xdb: {  	_ =	swait.ge [sflag:s31], $0x50  }
0xdc: {  	s29 =	sshrl.u32 s26, $0x3;
	[sflag:s31] =	ssyncset.done $0x0  }
0xdd: {  	s28 =	sadd.s32 s5, s29;
	[sflag:s31] =	ssyncadd.s32 $0xFFFFFFB0  }
0xde: {  	[tilespmem:s16], [sflag:$0x1] =	stream.linear.gather [hbm4b:s28+s4], $0x50, $0x38;
	[tilespmem:$0x1DF80] =	vst v63  }
0xdf: {  	s11 =	sadd.s32 s6, s29  }
0xe0: {  	[tilespmem:s17], [sflag:$0x1] =	stream.linear.gather [hbm4b:s11+s4], $0x50, $0x38;
	[tilespmem:$0x1DF80] =	vst v63  }
0xe1: {  	_ =	swait.ge [sflag:s21], $0x50  }
0xe2: {  	[sflag:s21] =	ssyncset.done $0x0  }
0xe3: {  	[sflag:s21] =	ssyncadd.s32 $0xFFFFFFB0  }
0xe4: {  	_ =	swait.ge [sflag:s21], $0x50  }
0xe5: {  	[sflag:s21] =	ssyncset.done $0x0  }
0xe6: {  	[sflag:s21] =	ssyncadd.s32 $0xFFFFFFB0  }
0xe7: {  	[tilespmem:s23], [sflag:$0x2] =	stream.indirect.gather [hbm4b:s1+s22], $0x80, s16, s22, $0xb8;
	[tilespmem:$0x1DF80] =	vst v63  }
0xe8: {  	_ =	swait.ge [sflag:s7], $0x2800  }
0xe9: {  	[sflag:s7] =	ssyncset.done $0x0  }
0xea: {  	s29 =	simm.s32 $0x18B80;
	[sflag:s7] =	ssyncadd.s32 $0xFFFFD800  }
0xeb: {  	[spmem:s2] =	stream.indirect.scatter.add.f32 [tilespmem:s29], [sflag:$0x9], $0x80, s20, s22, $0xb8;
	[tilespmem:$0x1DF80] =	vst v63  }
0xec: {  	_ = 	snop  }
0xed: {  	[spmem:s3] =	stream.indirect.scatter.add.f32 [tilespmem:s15], [sflag:$0x9], $0x1, s20, s22, $0xb8;
	[tilespmem:$0x1DF80] =	vst v63  }
0xee: {  	p2 =	seq.s32 s0, $0x4B0;
	_ =	swait.ge [sflag:s18], $0x2800  }
.Ltmp8:
0xef: {  	[sflag:s18] =	ssyncset.done $0x0;
	(pc) =	sbr.rel @!p2 .LBB2_6-.Ltmp8, $4  }
0xf0: {  	[sflag:s18] =	ssyncadd.s32 $0xFFFFD800  }
0xf1: {  	_ =	swait.ge [sflag:s18], $0x50  }
0xf2: {  	[sflag:s18] =	ssyncset.done $0x0  }
0xf3: {  	[sflag:s18] =	ssyncadd.s32 $0xFFFFFFB0  }
.Ltmp9:
0xf4: {  	(pc) =	sbr.rel @p1 .LBB2_8-.Ltmp9, $4  }
.Ltmp10:
0xf5: {  	(pc) =	sbr.rel @!p1 .LBB2_9-.Ltmp10, $4  }
0xf6: {  	_ = 	snop  }
0xf7: {  	_ = 	snop  }
0xf8: {  	p2 =	por $0x0, $0x0  }
0xf9: {  	_ = 	snop  }
.LBB2_6:
.Ltmp11:
0xfa: {  	s11 =	rddreg [dreg:$0x17];
	(pc) =	sbr.rel @!p1 .LBB2_9-.Ltmp11, $4  }
0xfb: {  	s28 =	simm.s32 $0x16180;
	s29 =	rddreg [dreg:$0x16];
	s11 =	sadd.s32 s0, s11  }
0xfc: {  	[tilespmem:s28], [sflag:$0x4] =	stream.linear.gather [hbm4b:s11+s4], $0x50, $0x38;
	[tilespmem:$0x1DF80] =	vst v63  }
0xfd: {  	s11 =	sadd.s32 s0, s29  }
0xfe: {  	[tilespmem:s19], [sflag:$0x4] =	stream.linear.gather [hbm4b:s11+s4], $0x50, $0x38;
	[tilespmem:$0x1DF80] =	vst v63  }
0xff: {  	_ =	swait.ge [sflag:s13], $0x50  }
0x100: {  	[sflag:s13] =	ssyncset.done $0x0  }
.Ltmp12:
0x101: {  	[sflag:s13] =	ssyncadd.s32 $0xFFFFFFB0;
	(pc) =	sbr.rel .LBB2_8-.Ltmp12, $4  }
0x102: {  	_ =	swait.ge [sflag:s13], $0x50  }
0x103: {  	s11 =	simm.s32 $0x16180;
	[sflag:s13] =	ssyncset.done $0x0  }
0x104: {  	s28 =	simm.s32 $0x16280;
	p2 =	por $0x1, $0x1;
	[sflag:s13] =	ssyncadd.s32 $0xFFFFFFB0  }
0x105: {  	[tilespmem:s28], [sflag:$0x5] =	stream.indirect.gather [hbm4b:s1+s22], $0x80, s11, s22, $0xb8;
	[tilespmem:$0x1DF80] =	vst v63  }
.LBB2_11:
0x106: {  	_ =	sfence.sel $0x180000  }
0x107: {  	[bflag:$0x0] =	sbarrier.arrive $0xFFFF  }
0x108: {  	_ =	strace $0x90000047  }
0x109: {  	s0 =	stileid.u32;
	[bflag:$0x2] =	sbarrier.arrive $0xFFFF  }
0x10a: {  	p0 =	sne.s32 s0, $0x0;
	s0 =	rddreg [dreg:$0x5]  }
0x10b: {  	s0 =	sadd.s32 @!p0 $0x100000, s0  }
0x10c: {  	[sflag:s0] =	ssyncadd.tile.s32 @!p0 $0x1;
	_ =	shalt  }
.Lfunc_end2:
_tile_overlayer_lowered:
.L_overlay_start_2:
0x10d: {  	(tag) =	ssettag $0x2  }
0x10e: {  	s0 =	rddreg [dreg:$0x0];
	s2 =	stileid.u32  }
0x10f: {  	s1 =	rddreg [dreg:$0x1];
	p0 =	sne.s32 s2, $0x0  }
0x110: {  	s3 =	rddreg [dreg:$0x2];
	[bflag:$0x3] =	sbarrier.arrive $0xFFFF;
	s2 =	simm.s32 @!p0 $0x1C0D  }
0x111: {  	[timem:s3], [sflag:s2] =	dma.local @!p0 [hbm:s0], s1  }
0x112: {  	s0 =	simm.s32 @!p0 $0xD  }
0x113: {  	_ =	swait.ge @!p0 [sflag:s0], s1  }
0x114: {  	s1 =	ssub.s32 @!p0 $0x0, s1;
	[sflag:s0] =	ssyncset.done @!p0 $0x0  }
0x115: {  	[sflag:s0] =	ssyncadd.s32 @!p0 s1  }
0x116: {  	[bflag:$0x3] =	sbarrier.arrive $0xFFFF  }
0x117: {  	_ =	shalt  }

</sc_bundles>
